<compile_context>
chip_gen: v7x
topology: tpu7x:2x2x1
jax: 0.10.2.dev20260603
libtpu: 0.0.44.dev20260713+nightly
codegen_flags: <defaults>
</compile_context>

<pallas_src>
import functools

import jax
import jax.numpy as jnp
from jax import lax
from jax.experimental import pallas as pl
from jax.experimental.pallas import tpu as pltpu
from jax.experimental.pallas import tpu_sc as plsc

N = 10000
E = 320000
D = 128
H = 128
OUT = 64
NG = 64

NPAD = 10112
CH = 128
NTILES = 16
NCORES = 2
NW = NCORES * NTILES
NCH = 79
EPW = NCH * CH
EPAD = NW * EPW
TOTCH = EPAD // CH
RPT = NPAD // NTILES
G = NCH // 2


def _sc_agg_body(h_hbm, src_hbm, dst_hbm, z_hbm, out_hbm,
                 acc_sh, sidx, didx, rows_v, sem):
    c = lax.axis_index("c")
    s = lax.axis_index("s")
    w = c * NTILES + s
    base = w * NCH
    pltpu.sync_copy(z_hbm.at[pl.ds(s * RPT, RPT)],
                    acc_sh.at[pl.ds(s * RPT, RPT)])
    plsc.subcore_barrier()

    def chunk(i, carry):
        off = (base + i) * CH
        pltpu.sync_copy(src_hbm.at[pl.ds(off, CH)], sidx)
        pltpu.sync_copy(dst_hbm.at[pl.ds(off, CH)], didx)
        pltpu.async_copy(h_hbm.at[sidx], rows_v, sem).wait()
        pltpu.sync_copy(rows_v, acc_sh.at[didx], add=True)
        return carry

    lax.fori_loop(0, NCH, chunk, 0)
    plsc.subcore_barrier()
    pltpu.sync_copy(acc_sh.at[pl.ds(s * RPT, RPT)],
                    out_hbm.at[c, pl.ds(s * RPT, RPT)])


_sc_agg = pl.kernel(
    _sc_agg_body,
    out_type=jax.ShapeDtypeStruct((NCORES, NPAD, D), jnp.float32),
    mesh=plsc.VectorSubcoreMesh(core_axis_name="c", subcore_axis_name="s",
                                num_cores=NCORES, num_subcores=NTILES),
    scratch_types=[
        pltpu.VMEM_SHARED((NPAD, D), jnp.float32),
        pltpu.VMEM((CH,), jnp.int32),
        pltpu.VMEM((CH,), jnp.int32),
        pltpu.VMEM((CH, D), jnp.float32),
        pltpu.SemaphoreType.DMA,
    ],
)


def _layer_body(hprev, agg2, batch, W1, b1, W2, b2, g, be, hout, pool):
    h_in = hprev[...] + agg2[0] + agg2[1]
    t = jnp.dot(h_in, W1[...], preferred_element_type=jnp.float32) + b1[...]
    t = jnp.maximum(t, 0.0)
    t = jnp.dot(t, W2[...], preferred_element_type=jnp.float32) + b2[...]
    mask = (lax.broadcasted_iota(jnp.int32, (NPAD, 1), 0) < N).astype(
        jnp.float32)
    m = jnp.sum(t * mask, axis=0, keepdims=True) / N
    v = jnp.sum((t - m) ** 2 * mask, axis=0, keepdims=True) / N
    h = (t - m) * lax.rsqrt(v + 1e-5) * g[...] + be[...]
    h = jnp.maximum(h, 0.0) * mask
    hout[...] = h
    oh = (batch[...] == lax.broadcasted_iota(jnp.int32, (NPAD, NG), 1)
          ).astype(jnp.float32)
    seg = lax.dot_general(oh, h, (((0,), (0,)), ((), ())),
                          preferred_element_type=jnp.float32)
    cnt = jnp.sum(oh, axis=0)
    pool[...] = seg / jnp.maximum(cnt, 1.0)[:, None]


_layer = pl.pallas_call(
    _layer_body,
    out_shape=(
        jax.ShapeDtypeStruct((NPAD, H), jnp.float32),
        jax.ShapeDtypeStruct((NG, H), jnp.float32),
    ),
)


def _final_body(p1, p2, p3, Wl, bl, out):
    hf = jnp.concatenate([p1[...], p2[...], p3[...]], axis=1)
    o = jnp.dot(hf, Wl[...], preferred_element_type=jnp.float32) + bl[...]
    nrm = jnp.sqrt(jnp.sum(o * o, axis=1, keepdims=True))
    out[...] = o / jnp.maximum(nrm, 1e-12)


_final = pl.pallas_call(
    _final_body,
    out_shape=jax.ShapeDtypeStruct((NG, OUT), jnp.float32),
)


def kernel(x, edge_index, batch, W1_1, b1_1, W2_1, b2_1, g_1, be_1,
           W1_2, b1_2, W2_2, b2_2, g_2, be_2, W1_3, b1_3, W2_3, b2_3,
           g_3, be_3, Wlin, blin):
    xp = jnp.zeros((NPAD, D), jnp.float32).at[:N].set(x)
    pad_e = EPAD - E
    src = jnp.concatenate(
        [edge_index[0], jnp.full((pad_e,), NPAD - 1, jnp.int32)])
    dst = jnp.concatenate(
        [edge_index[1], jnp.full((pad_e,), NPAD - 1, jnp.int32)])
    bat = jnp.full((NPAD, 1), NG, jnp.int32).at[:N, 0].set(batch)
    z = jnp.zeros((NPAD, D), jnp.float32)

    h = xp
    pools = []
    for (W1, b1, W2, b2, g, be) in (
            (W1_1, b1_1, W2_1, b2_1, g_1, be_1),
            (W1_2, b1_2, W2_2, b2_2, g_2, be_2),
            (W1_3, b1_3, W2_3, b2_3, g_3, be_3)):
        agg2 = _sc_agg(h, src, dst, z)
        h, pool = _layer(h, agg2, bat, W1, b1, W2, b2, g, be)
        pools.append(pool)

    return _final(pools[0], pools[1], pools[2], Wlin, blin)

# --- scband reference (transcript-rebuilt; emitter-appended) ---
"""Pipeline reference for scband-subgraph-encoder-19121194402280 (READ-ONLY COPY).

The authoritative reference and input builder live on the scoring server;
editing this copy changes nothing except your own understanding.
"""

import jax, jax.numpy as jnp
import numpy as np

N = 10000
E = 320000
D = 128
H = 128
OUT = 64
NG = 64


def _init_lin(key, fan_in, fan_out):
    k1, k2 = jax.random.split(key)
    bound = 1.0 / np.sqrt(fan_in)
    W = jax.random.uniform(k1, (fan_in, fan_out), minval=-bound, maxval=bound, dtype=jnp.float32)
    b = jax.random.uniform(k2, (fan_out,), minval=-bound, maxval=bound, dtype=jnp.float32)
    return W, b


def setup_inputs(seed: int = 0):
    key = jax.random.key(seed)
    ks = jax.random.split(key, 16)
    inp = {}
    inp["x"] = jax.random.normal(ks[0], (N, D), dtype=jnp.float32)
    inp["edge_index"] = jax.random.randint(ks[1], (2, E), 0, N, dtype=jnp.int32)
    inp["batch"] = jnp.sort(jax.random.randint(ks[2], (N,), 0, NG, dtype=jnp.int32))
    dims = [(D, H), (H, H), (H, H)]
    for i, (din, h) in enumerate(dims, start=1):
        W1, b1 = _init_lin(ks[2 + 2 * i], din, h)
        W2, b2 = _init_lin(ks[3 + 2 * i], h, h)
        inp["W1_%d" % i] = W1
        inp["b1_%d" % i] = b1
        inp["W2_%d" % i] = W2
        inp["b2_%d" % i] = b2
        inp["g_%d" % i] = jnp.ones((h,), jnp.float32)
        inp["be_%d" % i] = jnp.zeros((h,), jnp.float32)
    Wl, bl = _init_lin(ks[15], 3 * H, OUT)
    inp["Wlin"] = Wl
    inp["blin"] = bl
    return inp


def _gin(x, src, dst, W1, b1, W2, b2):
    # GINConv with eps=0: nn((1+eps)*x + sum_{j in N(i)} x_j)
    agg = jnp.zeros_like(x).at[dst].add(x[src])
    h = x + agg
    return jnp.maximum(h @ W1 + b1, 0.0) @ W2 + b2


def _bn(h, g, b):
    # BatchNorm1d, training-mode batch statistics
    m = jnp.mean(h, axis=0)
    v = jnp.var(h, axis=0)
    return (h - m) / jnp.sqrt(v + 1e-5) * g + b


def _pool(h, batch):
    s = jax.ops.segment_sum(h, batch, num_segments=NG)
    c = jax.ops.segment_sum(jnp.ones((h.shape[0],), h.dtype), batch, num_segments=NG)
    return s / jnp.maximum(c, 1.0)[:, None]


def reference(x, edge_index, batch, W1_1, b1_1, W2_1, b2_1, g_1, be_1, W1_2, b1_2, W2_2, b2_2, g_2, be_2, W1_3, b1_3, W2_3, b2_3, g_3, be_3, Wlin, blin):
    src, dst = edge_index[0], edge_index[1]
    h1 = jnp.maximum(_bn(_gin(x, src, dst, W1_1, b1_1, W2_1, b2_1), g_1, be_1), 0.0)
    h2 = jnp.maximum(_bn(_gin(h1, src, dst, W1_2, b1_2, W2_2, b2_2), g_2, be_2), 0.0)
    h3 = jnp.maximum(_bn(_gin(h2, src, dst, W1_3, b1_3, W2_3, b2_3), g_3, be_3), 0.0)
    hf = jnp.concatenate([_pool(h1, batch), _pool(h2, batch), _pool(h3, batch)], axis=1)
    out = hf @ Wlin + blin
    nrm = jnp.sqrt(jnp.sum(out * out, axis=1, keepdims=True))
    return out / jnp.maximum(nrm, 1e-12)

if __name__ == "__main__":
    import jax
    _d = setup_inputs()
    print(jax.jit(kernel)(*tuple(_d.values())))

</pallas_src>

<mosaic_0001>
#map = affine_map<(d0, d1) -> (0, 0)>
#map1 = affine_map<(d0, d1) -> (0)>
#map2 = affine_map<(d0, d1) -> (0, 0, 0)>
module attributes {stable_mosaic.version = 14 : i64} {
  func.func @_sc_agg_body(%arg0: i32, %arg1: i32, %arg2: memref<10112x128xf32, #tpu.memory_space<hbm>>, %arg3: memref<323584xi32, #tpu.memory_space<hbm>>, %arg4: memref<323584xi32, #tpu.memory_space<hbm>>, %arg5: memref<10112x128xf32, #tpu.memory_space<hbm>>, %arg6: memref<2x10112x128xf32, #tpu.memory_space<hbm>>, %arg7: memref<10112x128xf32, #tpu.memory_space<vmem_shared>>, %arg8: memref<128xi32, #tpu.memory_space<vmem>>, %arg9: memref<128xi32, #tpu.memory_space<vmem>>, %arg10: memref<128x128xf32, #tpu.memory_space<vmem>>, %arg11: memref<!tpu.dma_semaphore, #tpu.memory_space<semaphore_mem>>) attributes {dimension_semantics = [#tpu.dimension_semantics<core_parallel>, #tpu.dimension_semantics<subcore_parallel>], iteration_bounds = array<i64: 2, 16>, scalar_prefetch = 0 : i64, scratch_operands = 5 : i64, tpu.core_type = #tpu.core_type<sc_vector_subcore>, window_params = [{transform_indices = #map}, {transform_indices = #map1}, {transform_indices = #map1}, {transform_indices = #map}, {transform_indices = #map2}]} {
    %mul3A = arith.constant 16 : i32
    %mul3A_0 = arith.muli %arg0, %mul3A : i32
    %add3A = arith.addi %mul3A_0, %arg1 : i32
    %mul3A_1 = arith.constant 79 : i32
    %mul3A_2 = arith.muli %add3A, %mul3A_1 : i32
    %mul3A_3 = arith.constant 632 : i32
    %mul3A_4 = arith.muli %arg1, %mul3A_3 : i32
    %mul3A_5 = arith.constant 632 : i32
    %mul3A_6 = arith.muli %arg1, %mul3A_5 : i32
    "tpu.region"() ({
      %run_scoped3A = tpu.sem_alloc : memref<!tpu.dma_semaphore, #tpu.memory_space<semaphore_mem>>
      %dma_start3A = arith.constant 0 : i32
      %dma_start3A_17 = tpu.memref_slice %arg7[%mul3A_6, %dma_start3A] : memref<10112x128xf32, #tpu.memory_space<vmem_shared>> -> memref<632x128xf32, #tpu.memory_space<vmem_shared>>
      %dma_start3A_18 = arith.constant 0 : i32
      %dma_start3A_19 = tpu.memref_slice %arg5[%mul3A_4, %dma_start3A_18] : memref<10112x128xf32, #tpu.memory_space<hbm>> -> memref<632x128xf32, #tpu.memory_space<hbm>>
      tpu.enqueue_dma source(%dma_start3A_19 : memref<632x128xf32, #tpu.memory_space<hbm>>) target(%dma_start3A_17 : memref<632x128xf32, #tpu.memory_space<vmem_shared>>) target_semaphore(%run_scoped3A : memref<!tpu.dma_semaphore, #tpu.memory_space<semaphore_mem>>)
      %dma_wait3A = arith.constant 0 : i32
      %dma_wait3A_20 = tpu.memref_slice %arg7[%mul3A_6, %dma_wait3A] : memref<10112x128xf32, #tpu.memory_space<vmem_shared>> -> memref<632x128xf32, #tpu.memory_space<vmem_shared>>
      %dma_wait3A_21 = arith.constant 0 : i32
      %dma_wait3A_22 = tpu.memref_slice %arg5[%mul3A_4, %dma_wait3A_21] : memref<10112x128xf32, #tpu.memory_space<hbm>> -> memref<632x128xf32, #tpu.memory_space<hbm>>
      tpu.wait_dma2 semaphore(%run_scoped3A : memref<!tpu.dma_semaphore, #tpu.memory_space<semaphore_mem>>) src(%dma_wait3A_22 : memref<632x128xf32, #tpu.memory_space<hbm>>) dst(%dma_wait3A_20 : memref<632x128xf32, #tpu.memory_space<vmem_shared>>)
      tpu.yield
    }) : () -> ()
    %barrier3A = arith.constant 0 : index
    tpu.barrier barrier_id(%barrier3A)
    %scan3A = arith.constant 0 : i32
    %scan3A_7 = arith.constant 0 : i32
    %scan3A_8 = arith.constant 79 : i32
    %scan3A_9 = arith.addi %scan3A_7, %scan3A_8 : i32
    %scan3A_10 = arith.constant 1 : i32
    scf.for %scan3A_17 = %scan3A_7 to %scan3A_9 step %scan3A_10  : i32 {
      %add3A_18 = arith.addi %mul3A_2, %scan3A_17 : i32
      %mul3A_19 = arith.constant 128 : i32
      %mul3A_20 = arith.muli %add3A_18, %mul3A_19 : i32
      "tpu.region"() ({
        %run_scoped3A = tpu.sem_alloc : memref<!tpu.dma_semaphore, #tpu.memory_space<semaphore_mem>>
        %dma_start3A_25 = tpu.memref_slice %arg3[%mul3A_20] : memref<323584xi32, #tpu.memory_space<hbm>> -> memref<128xi32, #tpu.memory_space<hbm>>
        %dma_start3A_26 = tpu.memref_slice %arg3[%mul3A_20] : memref<323584xi32, #tpu.memory_space<hbm>> -> memref<128xi32, #tpu.memory_space<hbm>>
        tpu.enqueue_dma source(%dma_start3A_26 : memref<128xi32, #tpu.memory_space<hbm>>) target(%arg8 : memref<128xi32, #tpu.memory_space<vmem>>) target_semaphore(%run_scoped3A : memref<!tpu.dma_semaphore, #tpu.memory_space<semaphore_mem>>)
        %dma_wait3A_27 = tpu.memref_slice %arg3[%mul3A_20] : memref<323584xi32, #tpu.memory_space<hbm>> -> memref<128xi32, #tpu.memory_space<hbm>>
        %dma_wait3A_28 = tpu.memref_slice %arg3[%mul3A_20] : memref<323584xi32, #tpu.memory_space<hbm>> -> memref<128xi32, #tpu.memory_space<hbm>>
        tpu.wait_dma2 semaphore(%run_scoped3A : memref<!tpu.dma_semaphore, #tpu.memory_space<semaphore_mem>>) src(%dma_wait3A_28 : memref<128xi32, #tpu.memory_space<hbm>>) dst(%arg8 : memref<128xi32, #tpu.memory_space<vmem>>)
        tpu.yield
      }) : () -> ()
      "tpu.region"() ({
        %run_scoped3A = tpu.sem_alloc : memref<!tpu.dma_semaphore, #tpu.memory_space<semaphore_mem>>
        %dma_start3A_25 = tpu.memref_slice %arg4[%mul3A_20] : memref<323584xi32, #tpu.memory_space<hbm>> -> memref<128xi32, #tpu.memory_space<hbm>>
        %dma_start3A_26 = tpu.memref_slice %arg4[%mul3A_20] : memref<323584xi32, #tpu.memory_space<hbm>> -> memref<128xi32, #tpu.memory_space<hbm>>
        tpu.enqueue_dma source(%dma_start3A_26 : memref<128xi32, #tpu.memory_space<hbm>>) target(%arg9 : memref<128xi32, #tpu.memory_space<vmem>>) target_semaphore(%run_scoped3A : memref<!tpu.dma_semaphore, #tpu.memory_space<semaphore_mem>>)
        %dma_wait3A_27 = tpu.memref_slice %arg4[%mul3A_20] : memref<323584xi32, #tpu.memory_space<hbm>> -> memref<128xi32, #tpu.memory_space<hbm>>
        %dma_wait3A_28 = tpu.memref_slice %arg4[%mul3A_20] : memref<323584xi32, #tpu.memory_space<hbm>> -> memref<128xi32, #tpu.memory_space<hbm>>
        tpu.wait_dma2 semaphore(%run_scoped3A : memref<!tpu.dma_semaphore, #tpu.memory_space<semaphore_mem>>) src(%dma_wait3A_28 : memref<128xi32, #tpu.memory_space<hbm>>) dst(%arg9 : memref<128xi32, #tpu.memory_space<vmem>>)
        tpu.yield
      }) : () -> ()
      %dma_start3A = arith.constant 0 : i32
      %dma_start3A_21 = arith.constant 0 : i32
      %dma_start3A_22 = tpu.memref_slice %arg2[%dma_start3A, %dma_start3A_21] : memref<10112x128xf32, #tpu.memory_space<hbm>> -> memref<10112x128xf32, #tpu.memory_space<hbm>>
      tpu.enqueue_indirect_dma source(%dma_start3A_22 : memref<10112x128xf32, #tpu.memory_space<hbm>>) target(%arg10 : memref<128x128xf32, #tpu.memory_space<vmem>>) offsets(%arg8 : memref<128xi32, #tpu.memory_space<vmem>>) semaphore(%arg11 : memref<!tpu.dma_semaphore, #tpu.memory_space<semaphore_mem>>)
      %dma_wait3A = arith.constant 0 : i32
      %dma_wait3A_23 = arith.constant 0 : i32
      %dma_wait3A_24 = tpu.memref_slice %arg2[%dma_wait3A, %dma_wait3A_23] : memref<10112x128xf32, #tpu.memory_space<hbm>> -> memref<10112x128xf32, #tpu.memory_space<hbm>>
      tpu.wait_indirect_dma semaphore(%arg11 : memref<!tpu.dma_semaphore, #tpu.memory_space<semaphore_mem>>) src(%dma_wait3A_24 : memref<10112x128xf32, #tpu.memory_space<hbm>>) dst(%arg10 : memref<128x128xf32, #tpu.memory_space<vmem>>)
      "tpu.region"() ({
        %run_scoped3A = tpu.sem_alloc : memref<!tpu.dma_semaphore, #tpu.memory_space<semaphore_mem>>
        %dma_start3A_25 = arith.constant 0 : i32
        %dma_start3A_26 = arith.constant 0 : i32
        %dma_start3A_27 = tpu.memref_slice %arg7[%dma_start3A_25, %dma_start3A_26] : memref<10112x128xf32, #tpu.memory_space<vmem_shared>> -> memref<10112x128xf32, #tpu.memory_space<vmem_shared>>
        tpu.enqueue_indirect_dma source(%arg10 : memref<128x128xf32, #tpu.memory_space<vmem>>) target(%dma_start3A_27 : memref<10112x128xf32, #tpu.memory_space<vmem_shared>>) offsets(%arg9 : memref<128xi32, #tpu.memory_space<vmem>>) semaphore(%run_scoped3A : memref<!tpu.dma_semaphore, #tpu.memory_space<semaphore_mem>>) {add = true}
        %dma_wait3A_28 = arith.constant 0 : i32
        %dma_wait3A_29 = arith.constant 0 : i32
        %dma_wait3A_30 = tpu.memref_slice %arg7[%dma_wait3A_28, %dma_wait3A_29] : memref<10112x128xf32, #tpu.memory_space<vmem_shared>> -> memref<10112x128xf32, #tpu.memory_space<vmem_shared>>
        tpu.wait_indirect_dma semaphore(%run_scoped3A : memref<!tpu.dma_semaphore, #tpu.memory_space<semaphore_mem>>) src(%arg10 : memref<128x128xf32, #tpu.memory_space<vmem>>) dst(%dma_wait3A_30 : memref<10112x128xf32, #tpu.memory_space<vmem_shared>>)
        tpu.yield
      }) : () -> ()
    }
    %scan3A_11 = arith.constant 79 : i32
    %barrier3A_12 = arith.constant 0 : index
    tpu.barrier barrier_id(%barrier3A_12)
    %mul3A_13 = arith.constant 632 : i32
    %mul3A_14 = arith.muli %arg1, %mul3A_13 : i32
    %mul3A_15 = arith.constant 632 : i32
    %mul3A_16 = arith.muli %arg1, %mul3A_15 : i32
    "tpu.region"() ({
      %run_scoped3A = tpu.sem_alloc : memref<!tpu.dma_semaphore, #tpu.memory_space<semaphore_mem>>
      %dma_start3A = arith.constant 0 : i32
      %dma_start3A_17 = tpu.memref_slice %arg6[%arg0, %mul3A_16, %dma_start3A] : memref<2x10112x128xf32, #tpu.memory_space<hbm>> -> memref<1x632x128xf32, #tpu.memory_space<hbm>>
      %dma_start3A_18 = tpu.memref_squeeze %dma_start3A_17 : memref<1x632x128xf32, #tpu.memory_space<hbm>> -> memref<632x128xf32, #tpu.memory_space<hbm>>
      %dma_start3A_19 = arith.constant 0 : i32
      %dma_start3A_20 = tpu.memref_slice %arg7[%mul3A_14, %dma_start3A_19] : memref<10112x128xf32, #tpu.memory_space<vmem_shared>> -> memref<632x128xf32, #tpu.memory_space<vmem_shared>>
      tpu.enqueue_dma source(%dma_start3A_20 : memref<632x128xf32, #tpu.memory_space<vmem_shared>>) target(%dma_start3A_18 : memref<632x128xf32, #tpu.memory_space<hbm>>) target_semaphore(%run_scoped3A : memref<!tpu.dma_semaphore, #tpu.memory_space<semaphore_mem>>)
      %dma_wait3A = arith.constant 0 : i32
      %dma_wait3A_21 = tpu.memref_slice %arg6[%arg0, %mul3A_16, %dma_wait3A] : memref<2x10112x128xf32, #tpu.memory_space<hbm>> -> memref<1x632x128xf32, #tpu.memory_space<hbm>>
      %dma_wait3A_22 = tpu.memref_squeeze %dma_wait3A_21 : memref<1x632x128xf32, #tpu.memory_space<hbm>> -> memref<632x128xf32, #tpu.memory_space<hbm>>
      %dma_wait3A_23 = arith.constant 0 : i32
      %dma_wait3A_24 = tpu.memref_slice %arg7[%mul3A_14, %dma_wait3A_23] : memref<10112x128xf32, #tpu.memory_space<vmem_shared>> -> memref<632x128xf32, #tpu.memory_space<vmem_shared>>
      tpu.wait_dma2 semaphore(%run_scoped3A : memref<!tpu.dma_semaphore, #tpu.memory_space<semaphore_mem>>) src(%dma_wait3A_24 : memref<632x128xf32, #tpu.memory_space<vmem_shared>>) dst(%dma_wait3A_22 : memref<632x128xf32, #tpu.memory_space<hbm>>)
      tpu.yield
    }) : () -> ()
    return
  }
}

#map = affine_map<(d0, d1) -> (0, 0)>
#map1 = affine_map<(d0, d1) -> (0)>
#map2 = affine_map<(d0, d1) -> (0, 0, 0)>
module attributes {stable_mosaic.version = 14 : i64} {
  func.func @_sc_agg_body(%arg0: i32, %arg1: i32, %arg2: memref<10112x128xf32, #tpu.memory_space<hbm>>, %arg3: memref<323584xi32, #tpu.memory_space<hbm>>, %arg4: memref<323584xi32, #tpu.memory_space<hbm>>, %arg5: memref<10112x128xf32, #tpu.memory_space<hbm>>, %arg6: memref<2x10112x128xf32, #tpu.memory_space<hbm>>, %arg7: memref<10112x128xf32, #tpu.memory_space<vmem_shared>>, %arg8: memref<128xi32, #tpu.memory_space<vmem>>, %arg9: memref<128xi32, #tpu.memory_space<vmem>>, %arg10: memref<128x128xf32, #tpu.memory_space<vmem>>, %arg11: memref<!tpu.dma_semaphore, #tpu.memory_space<semaphore_mem>>) attributes {dimension_semantics = [#tpu.dimension_semantics<core_parallel>, #tpu.dimension_semantics<subcore_parallel>], iteration_bounds = array<i64: 2, 16>, scalar_prefetch = 0 : i64, scratch_operands = 5 : i64, tpu.core_type = #tpu.core_type<sc_vector_subcore>, window_params = [{transform_indices = #map}, {transform_indices = #map1}, {transform_indices = #map1}, {transform_indices = #map}, {transform_indices = #map2}]} {
    %mul3A = arith.constant 16 : i32
    %mul3A_0 = arith.muli %arg0, %mul3A : i32
    %add3A = arith.addi %mul3A_0, %arg1 : i32
    %mul3A_1 = arith.constant 79 : i32
    %mul3A_2 = arith.muli %add3A, %mul3A_1 : i32
    %mul3A_3 = arith.constant 632 : i32
    %mul3A_4 = arith.muli %arg1, %mul3A_3 : i32
    %mul3A_5 = arith.constant 632 : i32
    %mul3A_6 = arith.muli %arg1, %mul3A_5 : i32
    "tpu.region"() ({
      %run_scoped3A = tpu.sem_alloc : memref<!tpu.dma_semaphore, #tpu.memory_space<semaphore_mem>>
      %dma_start3A = arith.constant 0 : i32
      %dma_start3A_17 = tpu.memref_slice %arg7[%mul3A_6, %dma_start3A] : memref<10112x128xf32, #tpu.memory_space<vmem_shared>> -> memref<632x128xf32, #tpu.memory_space<vmem_shared>>
      %dma_start3A_18 = arith.constant 0 : i32
      %dma_start3A_19 = tpu.memref_slice %arg5[%mul3A_4, %dma_start3A_18] : memref<10112x128xf32, #tpu.memory_space<hbm>> -> memref<632x128xf32, #tpu.memory_space<hbm>>
      tpu.enqueue_dma source(%dma_start3A_19 : memref<632x128xf32, #tpu.memory_space<hbm>>) target(%dma_start3A_17 : memref<632x128xf32, #tpu.memory_space<vmem_shared>>) target_semaphore(%run_scoped3A : memref<!tpu.dma_semaphore, #tpu.memory_space<semaphore_mem>>)
      %dma_wait3A = arith.constant 0 : i32
      %dma_wait3A_20 = tpu.memref_slice %arg7[%mul3A_6, %dma_wait3A] : memref<10112x128xf32, #tpu.memory_space<vmem_shared>> -> memref<632x128xf32, #tpu.memory_space<vmem_shared>>
      %dma_wait3A_21 = arith.constant 0 : i32
      %dma_wait3A_22 = tpu.memref_slice %arg5[%mul3A_4, %dma_wait3A_21] : memref<10112x128xf32, #tpu.memory_space<hbm>> -> memref<632x128xf32, #tpu.memory_space<hbm>>
      tpu.wait_dma2 semaphore(%run_scoped3A : memref<!tpu.dma_semaphore, #tpu.memory_space<semaphore_mem>>) src(%dma_wait3A_22 : memref<632x128xf32, #tpu.memory_space<hbm>>) dst(%dma_wait3A_20 : memref<632x128xf32, #tpu.memory_space<vmem_shared>>)
      tpu.yield
    }) : () -> ()
    %barrier3A = arith.constant 0 : index
    tpu.barrier barrier_id(%barrier3A)
    %scan3A = arith.constant 0 : i32
    %scan3A_7 = arith.constant 0 : i32
    %scan3A_8 = arith.constant 79 : i32
    %scan3A_9 = arith.addi %scan3A_7, %scan3A_8 : i32
    %scan3A_10 = arith.constant 1 : i32
    scf.for %scan3A_17 = %scan3A_7 to %scan3A_9 step %scan3A_10  : i32 {
      %add3A_18 = arith.addi %mul3A_2, %scan3A_17 : i32
      %mul3A_19 = arith.constant 128 : i32
      %mul3A_20 = arith.muli %add3A_18, %mul3A_19 : i32
      "tpu.region"() ({
        %run_scoped3A = tpu.sem_alloc : memref<!tpu.dma_semaphore, #tpu.memory_space<semaphore_mem>>
        %dma_start3A_25 = tpu.memref_slice %arg3[%mul3A_20] : memref<323584xi32, #tpu.memory_space<hbm>> -> memref<128xi32, #tpu.memory_space<hbm>>
        %dma_start3A_26 = tpu.memref_slice %arg3[%mul3A_20] : memref<323584xi32, #tpu.memory_space<hbm>> -> memref<128xi32, #tpu.memory_space<hbm>>
        tpu.enqueue_dma source(%dma_start3A_26 : memref<128xi32, #tpu.memory_space<hbm>>) target(%arg8 : memref<128xi32, #tpu.memory_space<vmem>>) target_semaphore(%run_scoped3A : memref<!tpu.dma_semaphore, #tpu.memory_space<semaphore_mem>>)
        %dma_wait3A_27 = tpu.memref_slice %arg3[%mul3A_20] : memref<323584xi32, #tpu.memory_space<hbm>> -> memref<128xi32, #tpu.memory_space<hbm>>
        %dma_wait3A_28 = tpu.memref_slice %arg3[%mul3A_20] : memref<323584xi32, #tpu.memory_space<hbm>> -> memref<128xi32, #tpu.memory_space<hbm>>
        tpu.wait_dma2 semaphore(%run_scoped3A : memref<!tpu.dma_semaphore, #tpu.memory_space<semaphore_mem>>) src(%dma_wait3A_28 : memref<128xi32, #tpu.memory_space<hbm>>) dst(%arg8 : memref<128xi32, #tpu.memory_space<vmem>>)
        tpu.yield
      }) : () -> ()
      "tpu.region"() ({
        %run_scoped3A = tpu.sem_alloc : memref<!tpu.dma_semaphore, #tpu.memory_space<semaphore_mem>>
        %dma_start3A_25 = tpu.memref_slice %arg4[%mul3A_20] : memref<323584xi32, #tpu.memory_space<hbm>> -> memref<128xi32, #tpu.memory_space<hbm>>
        %dma_start3A_26 = tpu.memref_slice %arg4[%mul3A_20] : memref<323584xi32, #tpu.memory_space<hbm>> -> memref<128xi32, #tpu.memory_space<hbm>>
        tpu.enqueue_dma source(%dma_start3A_26 : memref<128xi32, #tpu.memory_space<hbm>>) target(%arg9 : memref<128xi32, #tpu.memory_space<vmem>>) target_semaphore(%run_scoped3A : memref<!tpu.dma_semaphore, #tpu.memory_space<semaphore_mem>>)
        %dma_wait3A_27 = tpu.memref_slice %arg4[%mul3A_20] : memref<323584xi32, #tpu.memory_space<hbm>> -> memref<128xi32, #tpu.memory_space<hbm>>
        %dma_wait3A_28 = tpu.memref_slice %arg4[%mul3A_20] : memref<323584xi32, #tpu.memory_space<hbm>> -> memref<128xi32, #tpu.memory_space<hbm>>
        tpu.wait_dma2 semaphore(%run_scoped3A : memref<!tpu.dma_semaphore, #tpu.memory_space<semaphore_mem>>) src(%dma_wait3A_28 : memref<128xi32, #tpu.memory_space<hbm>>) dst(%arg9 : memref<128xi32, #tpu.memory_space<vmem>>)
        tpu.yield
      }) : () -> ()
      %dma_start3A = arith.constant 0 : i32
      %dma_start3A_21 = arith.constant 0 : i32
      %dma_start3A_22 = tpu.memref_slice %arg2[%dma_start3A, %dma_start3A_21] : memref<10112x128xf32, #tpu.memory_space<hbm>> -> memref<10112x128xf32, #tpu.memory_space<hbm>>
      tpu.enqueue_indirect_dma source(%dma_start3A_22 : memref<10112x128xf32, #tpu.memory_space<hbm>>) target(%arg10 : memref<128x128xf32, #tpu.memory_space<vmem>>) offsets(%arg8 : memref<128xi32, #tpu.memory_space<vmem>>) semaphore(%arg11 : memref<!tpu.dma_semaphore, #tpu.memory_space<semaphore_mem>>)
      %dma_wait3A = arith.constant 0 : i32
      %dma_wait3A_23 = arith.constant 0 : i32
      %dma_wait3A_24 = tpu.memref_slice %arg2[%dma_wait3A, %dma_wait3A_23] : memref<10112x128xf32, #tpu.memory_space<hbm>> -> memref<10112x128xf32, #tpu.memory_space<hbm>>
      tpu.wait_indirect_dma semaphore(%arg11 : memref<!tpu.dma_semaphore, #tpu.memory_space<semaphore_mem>>) src(%dma_wait3A_24 : memref<10112x128xf32, #tpu.memory_space<hbm>>) dst(%arg10 : memref<128x128xf32, #tpu.memory_space<vmem>>)
      "tpu.region"() ({
        %run_scoped3A = tpu.sem_alloc : memref<!tpu.dma_semaphore, #tpu.memory_space<semaphore_mem>>
        %dma_start3A_25 = arith.constant 0 : i32
        %dma_start3A_26 = arith.constant 0 : i32
        %dma_start3A_27 = tpu.memref_slice %arg7[%dma_start3A_25, %dma_start3A_26] : memref<10112x128xf32, #tpu.memory_space<vmem_shared>> -> memref<10112x128xf32, #tpu.memory_space<vmem_shared>>
        tpu.enqueue_indirect_dma source(%arg10 : memref<128x128xf32, #tpu.memory_space<vmem>>) target(%dma_start3A_27 : memref<10112x128xf32, #tpu.memory_space<vmem_shared>>) offsets(%arg9 : memref<128xi32, #tpu.memory_space<vmem>>) semaphore(%run_scoped3A : memref<!tpu.dma_semaphore, #tpu.memory_space<semaphore_mem>>) {add = true}
        %dma_wait3A_28 = arith.constant 0 : i32
        %dma_wait3A_29 = arith.constant 0 : i32
        %dma_wait3A_30 = tpu.memref_slice %arg7[%dma_wait3A_28, %dma_wait3A_29] : memref<10112x128xf32, #tpu.memory_space<vmem_shared>> -> memref<10112x128xf32, #tpu.memory_space<vmem_shared>>
        tpu.wait_indirect_dma semaphore(%run_scoped3A : memref<!tpu.dma_semaphore, #tpu.memory_space<semaphore_mem>>) src(%arg10 : memref<128x128xf32, #tpu.memory_space<vmem>>) dst(%dma_wait3A_30 : memref<10112x128xf32, #tpu.memory_space<vmem_shared>>)
        tpu.yield
      }) : () -> ()
    }
    %scan3A_11 = arith.constant 79 : i32
    %barrier3A_12 = arith.constant 0 : index
    tpu.barrier barrier_id(%barrier3A_12)
    %mul3A_13 = arith.constant 632 : i32
    %mul3A_14 = arith.muli %arg1, %mul3A_13 : i32
    %mul3A_15 = arith.constant 632 : i32
    %mul3A_16 = arith.muli %arg1, %mul3A_15 : i32
    "tpu.region"() ({
      %run_scoped3A = tpu.sem_alloc : memref<!tpu.dma_semaphore, #tpu.memory_space<semaphore_mem>>
      %dma_start3A = arith.constant 0 : i32
      %dma_start3A_17 = tpu.memref_slice %arg6[%arg0, %mul3A_16, %dma_start3A] : memref<2x10112x128xf32, #tpu.memory_space<hbm>> -> memref<1x632x128xf32, #tpu.memory_space<hbm>>
      %dma_start3A_18 = tpu.memref_squeeze %dma_start3A_17 : memref<1x632x128xf32, #tpu.memory_space<hbm>> -> memref<632x128xf32, #tpu.memory_space<hbm>>
      %dma_start3A_19 = arith.constant 0 : i32
      %dma_start3A_20 = tpu.memref_slice %arg7[%mul3A_14, %dma_start3A_19] : memref<10112x128xf32, #tpu.memory_space<vmem_shared>> -> memref<632x128xf32, #tpu.memory_space<vmem_shared>>
      tpu.enqueue_dma source(%dma_start3A_20 : memref<632x128xf32, #tpu.memory_space<vmem_shared>>) target(%dma_start3A_18 : memref<632x128xf32, #tpu.memory_space<hbm>>) target_semaphore(%run_scoped3A : memref<!tpu.dma_semaphore, #tpu.memory_space<semaphore_mem>>)
      %dma_wait3A = arith.constant 0 : i32
      %dma_wait3A_21 = tpu.memref_slice %arg6[%arg0, %mul3A_16, %dma_wait3A] : memref<2x10112x128xf32, #tpu.memory_space<hbm>> -> memref<1x632x128xf32, #tpu.memory_space<hbm>>
      %dma_wait3A_22 = tpu.memref_squeeze %dma_wait3A_21 : memref<1x632x128xf32, #tpu.memory_space<hbm>> -> memref<632x128xf32, #tpu.memory_space<hbm>>
      %dma_wait3A_23 = arith.constant 0 : i32
      %dma_wait3A_24 = tpu.memref_slice %arg7[%mul3A_14, %dma_wait3A_23] : memref<10112x128xf32, #tpu.memory_space<vmem_shared>> -> memref<632x128xf32, #tpu.memory_space<vmem_shared>>
      tpu.wait_dma2 semaphore(%run_scoped3A : memref<!tpu.dma_semaphore, #tpu.memory_space<semaphore_mem>>) src(%dma_wait3A_24 : memref<632x128xf32, #tpu.memory_space<vmem_shared>>) dst(%dma_wait3A_22 : memref<632x128xf32, #tpu.memory_space<hbm>>)
      tpu.yield
    }) : () -> ()
    return
  }
}

#map = affine_map<(d0, d1) -> (0, 0)>
#map1 = affine_map<(d0, d1) -> (0)>
#map2 = affine_map<(d0, d1) -> (0, 0, 0)>
module attributes {stable_mosaic.version = 14 : i64} {
  func.func @_sc_agg_body(%arg0: i32, %arg1: i32, %arg2: memref<10112x128xf32, #tpu.memory_space<hbm>>, %arg3: memref<323584xi32, #tpu.memory_space<hbm>>, %arg4: memref<323584xi32, #tpu.memory_space<hbm>>, %arg5: memref<10112x128xf32, #tpu.memory_space<hbm>>, %arg6: memref<2x10112x128xf32, #tpu.memory_space<hbm>>, %arg7: memref<10112x128xf32, #tpu.memory_space<vmem_shared>>, %arg8: memref<128xi32, #tpu.memory_space<vmem>>, %arg9: memref<128xi32, #tpu.memory_space<vmem>>, %arg10: memref<128x128xf32, #tpu.memory_space<vmem>>, %arg11: memref<!tpu.dma_semaphore, #tpu.memory_space<semaphore_mem>>) attributes {dimension_semantics = [#tpu.dimension_semantics<core_parallel>, #tpu.dimension_semantics<subcore_parallel>], iteration_bounds = array<i64: 2, 16>, scalar_prefetch = 0 : i64, scratch_operands = 5 : i64, tpu.core_type = #tpu.core_type<sc_vector_subcore>, window_params = [{transform_indices = #map}, {transform_indices = #map1}, {transform_indices = #map1}, {transform_indices = #map}, {transform_indices = #map2}]} {
    %mul3A = arith.constant 16 : i32
    %mul3A_0 = arith.muli %arg0, %mul3A : i32
    %add3A = arith.addi %mul3A_0, %arg1 : i32
    %mul3A_1 = arith.constant 79 : i32
    %mul3A_2 = arith.muli %add3A, %mul3A_1 : i32
    %mul3A_3 = arith.constant 632 : i32
    %mul3A_4 = arith.muli %arg1, %mul3A_3 : i32
    %mul3A_5 = arith.constant 632 : i32
    %mul3A_6 = arith.muli %arg1, %mul3A_5 : i32
    "tpu.region"() ({
      %run_scoped3A = tpu.sem_alloc : memref<!tpu.dma_semaphore, #tpu.memory_space<semaphore_mem>>
      %dma_start3A = arith.constant 0 : i32
      %dma_start3A_17 = tpu.memref_slice %arg7[%mul3A_6, %dma_start3A] : memref<10112x128xf32, #tpu.memory_space<vmem_shared>> -> memref<632x128xf32, #tpu.memory_space<vmem_shared>>
      %dma_start3A_18 = arith.constant 0 : i32
      %dma_start3A_19 = tpu.memref_slice %arg5[%mul3A_4, %dma_start3A_18] : memref<10112x128xf32, #tpu.memory_space<hbm>> -> memref<632x128xf32, #tpu.memory_space<hbm>>
      tpu.enqueue_dma source(%dma_start3A_19 : memref<632x128xf32, #tpu.memory_space<hbm>>) target(%dma_start3A_17 : memref<632x128xf32, #tpu.memory_space<vmem_shared>>) target_semaphore(%run_scoped3A : memref<!tpu.dma_semaphore, #tpu.memory_space<semaphore_mem>>)
      %dma_wait3A = arith.constant 0 : i32
      %dma_wait3A_20 = tpu.memref_slice %arg7[%mul3A_6, %dma_wait3A] : memref<10112x128xf32, #tpu.memory_space<vmem_shared>> -> memref<632x128xf32, #tpu.memory_space<vmem_shared>>
      %dma_wait3A_21 = arith.constant 0 : i32
      %dma_wait3A_22 = tpu.memref_slice %arg5[%mul3A_4, %dma_wait3A_21] : memref<10112x128xf32, #tpu.memory_space<hbm>> -> memref<632x128xf32, #tpu.memory_space<hbm>>
      tpu.wait_dma2 semaphore(%run_scoped3A : memref<!tpu.dma_semaphore, #tpu.memory_space<semaphore_mem>>) src(%dma_wait3A_22 : memref<632x128xf32, #tpu.memory_space<hbm>>) dst(%dma_wait3A_20 : memref<632x128xf32, #tpu.memory_space<vmem_shared>>)
      tpu.yield
    }) : () -> ()
    %barrier3A = arith.constant 0 : index
    tpu.barrier barrier_id(%barrier3A)
    %scan3A = arith.constant 0 : i32
    %scan3A_7 = arith.constant 0 : i32
    %scan3A_8 = arith.constant 79 : i32
    %scan3A_9 = arith.addi %scan3A_7, %scan3A_8 : i32
    %scan3A_10 = arith.constant 1 : i32
    scf.for %scan3A_17 = %scan3A_7 to %scan3A_9 step %scan3A_10  : i32 {
      %add3A_18 = arith.addi %mul3A_2, %scan3A_17 : i32
      %mul3A_19 = arith.constant 128 : i32
      %mul3A_20 = arith.muli %add3A_18, %mul3A_19 : i32
      "tpu.region"() ({
        %run_scoped3A = tpu.sem_alloc : memref<!tpu.dma_semaphore, #tpu.memory_space<semaphore_mem>>
        %dma_start3A_25 = tpu.memref_slice %arg3[%mul3A_20] : memref<323584xi32, #tpu.memory_space<hbm>> -> memref<128xi32, #tpu.memory_space<hbm>>
        %dma_start3A_26 = tpu.memref_slice %arg3[%mul3A_20] : memref<323584xi32, #tpu.memory_space<hbm>> -> memref<128xi32, #tpu.memory_space<hbm>>
        tpu.enqueue_dma source(%dma_start3A_26 : memref<128xi32, #tpu.memory_space<hbm>>) target(%arg8 : memref<128xi32, #tpu.memory_space<vmem>>) target_semaphore(%run_scoped3A : memref<!tpu.dma_semaphore, #tpu.memory_space<semaphore_mem>>)
        %dma_wait3A_27 = tpu.memref_slice %arg3[%mul3A_20] : memref<323584xi32, #tpu.memory_space<hbm>> -> memref<128xi32, #tpu.memory_space<hbm>>
        %dma_wait3A_28 = tpu.memref_slice %arg3[%mul3A_20] : memref<323584xi32, #tpu.memory_space<hbm>> -> memref<128xi32, #tpu.memory_space<hbm>>
        tpu.wait_dma2 semaphore(%run_scoped3A : memref<!tpu.dma_semaphore, #tpu.memory_space<semaphore_mem>>) src(%dma_wait3A_28 : memref<128xi32, #tpu.memory_space<hbm>>) dst(%arg8 : memref<128xi32, #tpu.memory_space<vmem>>)
        tpu.yield
      }) : () -> ()
      "tpu.region"() ({
        %run_scoped3A = tpu.sem_alloc : memref<!tpu.dma_semaphore, #tpu.memory_space<semaphore_mem>>
        %dma_start3A_25 = tpu.memref_slice %arg4[%mul3A_20] : memref<323584xi32, #tpu.memory_space<hbm>> -> memref<128xi32, #tpu.memory_space<hbm>>
        %dma_start3A_26 = tpu.memref_slice %arg4[%mul3A_20] : memref<323584xi32, #tpu.memory_space<hbm>> -> memref<128xi32, #tpu.memory_space<hbm>>
        tpu.enqueue_dma source(%dma_start3A_26 : memref<128xi32, #tpu.memory_space<hbm>>) target(%arg9 : memref<128xi32, #tpu.memory_space<vmem>>) target_semaphore(%run_scoped3A : memref<!tpu.dma_semaphore, #tpu.memory_space<semaphore_mem>>)
        %dma_wait3A_27 = tpu.memref_slice %arg4[%mul3A_20] : memref<323584xi32, #tpu.memory_space<hbm>> -> memref<128xi32, #tpu.memory_space<hbm>>
        %dma_wait3A_28 = tpu.memref_slice %arg4[%mul3A_20] : memref<323584xi32, #tpu.memory_space<hbm>> -> memref<128xi32, #tpu.memory_space<hbm>>
        tpu.wait_dma2 semaphore(%run_scoped3A : memref<!tpu.dma_semaphore, #tpu.memory_space<semaphore_mem>>) src(%dma_wait3A_28 : memref<128xi32, #tpu.memory_space<hbm>>) dst(%arg9 : memref<128xi32, #tpu.memory_space<vmem>>)
        tpu.yield
      }) : () -> ()
      %dma_start3A = arith.constant 0 : i32
      %dma_start3A_21 = arith.constant 0 : i32
      %dma_start3A_22 = tpu.memref_slice %arg2[%dma_start3A, %dma_start3A_21] : memref<10112x128xf32, #tpu.memory_space<hbm>> -> memref<10112x128xf32, #tpu.memory_space<hbm>>
      tpu.enqueue_indirect_dma source(%dma_start3A_22 : memref<10112x128xf32, #tpu.memory_space<hbm>>) target(%arg10 : memref<128x128xf32, #tpu.memory_space<vmem>>) offsets(%arg8 : memref<128xi32, #tpu.memory_space<vmem>>) semaphore(%arg11 : memref<!tpu.dma_semaphore, #tpu.memory_space<semaphore_mem>>)
      %dma_wait3A = arith.constant 0 : i32
      %dma_wait3A_23 = arith.constant 0 : i32
      %dma_wait3A_24 = tpu.memref_slice %arg2[%dma_wait3A, %dma_wait3A_23] : memref<10112x128xf32, #tpu.memory_space<hbm>> -> memref<10112x128xf32, #tpu.memory_space<hbm>>
      tpu.wait_indirect_dma semaphore(%arg11 : memref<!tpu.dma_semaphore, #tpu.memory_space<semaphore_mem>>) src(%dma_wait3A_24 : memref<10112x128xf32, #tpu.memory_space<hbm>>) dst(%arg10 : memref<128x128xf32, #tpu.memory_space<vmem>>)
      "tpu.region"() ({
        %run_scoped3A = tpu.sem_alloc : memref<!tpu.dma_semaphore, #tpu.memory_space<semaphore_mem>>
        %dma_start3A_25 = arith.constant 0 : i32
        %dma_start3A_26 = arith.constant 0 : i32
        %dma_start3A_27 = tpu.memref_slice %arg7[%dma_start3A_25, %dma_start3A_26] : memref<10112x128xf32, #tpu.memory_space<vmem_shared>> -> memref<10112x128xf32, #tpu.memory_space<vmem_shared>>
        tpu.enqueue_indirect_dma source(%arg10 : memref<128x128xf32, #tpu.memory_space<vmem>>) target(%dma_start3A_27 : memref<10112x128xf32, #tpu.memory_space<vmem_shared>>) offsets(%arg9 : memref<128xi32, #tpu.memory_space<vmem>>) semaphore(%run_scoped3A : memref<!tpu.dma_semaphore, #tpu.memory_space<semaphore_mem>>) {add = true}
        %dma_wait3A_28 = arith.constant 0 : i32
        %dma_wait3A_29 = arith.constant 0 : i32
        %dma_wait3A_30 = tpu.memref_slice %arg7[%dma_wait3A_28, %dma_wait3A_29] : memref<10112x128xf32, #tpu.memory_space<vmem_shared>> -> memref<10112x128xf32, #tpu.memory_space<vmem_shared>>
        tpu.wait_indirect_dma semaphore(%run_scoped3A : memref<!tpu.dma_semaphore, #tpu.memory_space<semaphore_mem>>) src(%arg10 : memref<128x128xf32, #tpu.memory_space<vmem>>) dst(%dma_wait3A_30 : memref<10112x128xf32, #tpu.memory_space<vmem_shared>>)
        tpu.yield
      }) : () -> ()
    }
    %scan3A_11 = arith.constant 79 : i32
    %barrier3A_12 = arith.constant 0 : index
    tpu.barrier barrier_id(%barrier3A_12)
    %mul3A_13 = arith.constant 632 : i32
    %mul3A_14 = arith.muli %arg1, %mul3A_13 : i32
    %mul3A_15 = arith.constant 632 : i32
    %mul3A_16 = arith.muli %arg1, %mul3A_15 : i32
    "tpu.region"() ({
      %run_scoped3A = tpu.sem_alloc : memref<!tpu.dma_semaphore, #tpu.memory_space<semaphore_mem>>
      %dma_start3A = arith.constant 0 : i32
      %dma_start3A_17 = tpu.memref_slice %arg6[%arg0, %mul3A_16, %dma_start3A] : memref<2x10112x128xf32, #tpu.memory_space<hbm>> -> memref<1x632x128xf32, #tpu.memory_space<hbm>>
      %dma_start3A_18 = tpu.memref_squeeze %dma_start3A_17 : memref<1x632x128xf32, #tpu.memory_space<hbm>> -> memref<632x128xf32, #tpu.memory_space<hbm>>
      %dma_start3A_19 = arith.constant 0 : i32
      %dma_start3A_20 = tpu.memref_slice %arg7[%mul3A_14, %dma_start3A_19] : memref<10112x128xf32, #tpu.memory_space<vmem_shared>> -> memref<632x128xf32, #tpu.memory_space<vmem_shared>>
      tpu.enqueue_dma source(%dma_start3A_20 : memref<632x128xf32, #tpu.memory_space<vmem_shared>>) target(%dma_start3A_18 : memref<632x128xf32, #tpu.memory_space<hbm>>) target_semaphore(%run_scoped3A : memref<!tpu.dma_semaphore, #tpu.memory_space<semaphore_mem>>)
      %dma_wait3A = arith.constant 0 : i32
      %dma_wait3A_21 = tpu.memref_slice %arg6[%arg0, %mul3A_16, %dma_wait3A] : memref<2x10112x128xf32, #tpu.memory_space<hbm>> -> memref<1x632x128xf32, #tpu.memory_space<hbm>>
      %dma_wait3A_22 = tpu.memref_squeeze %dma_wait3A_21 : memref<1x632x128xf32, #tpu.memory_space<hbm>> -> memref<632x128xf32, #tpu.memory_space<hbm>>
      %dma_wait3A_23 = arith.constant 0 : i32
      %dma_wait3A_24 = tpu.memref_slice %arg7[%mul3A_14, %dma_wait3A_23] : memref<10112x128xf32, #tpu.memory_space<vmem_shared>> -> memref<632x128xf32, #tpu.memory_space<vmem_shared>>
      tpu.wait_dma2 semaphore(%run_scoped3A : memref<!tpu.dma_semaphore, #tpu.memory_space<semaphore_mem>>) src(%dma_wait3A_24 : memref<632x128xf32, #tpu.memory_space<vmem_shared>>) dst(%dma_wait3A_22 : memref<632x128xf32, #tpu.memory_space<hbm>>)
      tpu.yield
    }) : () -> ()
    return
  }
}

module attributes {stable_mosaic.version = 14 : i64} {
  func.func @_layer_body(%arg0: memref<10112x128xf32, #tpu.memory_space<vmem>>, %arg1: memref<2x10112x128xf32, #tpu.memory_space<vmem>>, %arg2: memref<10112x1xi32, #tpu.memory_space<vmem>>, %arg3: memref<128x128xf32, #tpu.memory_space<vmem>>, %arg4: memref<128xf32, #tpu.memory_space<vmem>>, %arg5: memref<128x128xf32, #tpu.memory_space<vmem>>, %arg6: memref<128xf32, #tpu.memory_space<vmem>>, %arg7: memref<128xf32, #tpu.memory_space<vmem>>, %arg8: memref<128xf32, #tpu.memory_space<vmem>>, %arg9: memref<10112x128xf32, #tpu.memory_space<vmem>>, %arg10: memref<64x128xf32, #tpu.memory_space<vmem>>) attributes {dimension_semantics = [], scalar_prefetch = 0 : i64, scratch_operands = 0 : i64, tpu.core_type = #tpu.core_type<tc>} {
    %get3A = arith.constant 0 : index
    %get3A_0 = arith.constant 0 : index
    %get3A_1 = vector.load %arg0[%get3A, %get3A_0] : memref<10112x128xf32, #tpu.memory_space<vmem>>, vector<10112x128xf32>
    %get3A_2 = arith.constant 0 : index
    %get3A_3 = arith.constant 0 : index
    %get3A_4 = arith.constant 0 : index
    %get3A_5 = vector.load %arg1[%get3A_2, %get3A_3, %get3A_4] : memref<2x10112x128xf32, #tpu.memory_space<vmem>>, vector<1x10112x128xf32>
    %get3A_6 = vector.shape_cast %get3A_5 : vector<1x10112x128xf32> to vector<10112x128xf32>
    %add3A = arith.addf %get3A_1, %get3A_6 : vector<10112x128xf32>
    %get3A_7 = arith.constant 1 : index
    %get3A_8 = arith.constant 0 : index
    %get3A_9 = arith.constant 0 : index
    %get3A_10 = vector.load %arg1[%get3A_7, %get3A_8, %get3A_9] : memref<2x10112x128xf32, #tpu.memory_space<vmem>>, vector<1x10112x128xf32>
    %get3A_11 = vector.shape_cast %get3A_10 : vector<1x10112x128xf32> to vector<10112x128xf32>
    %add3A_12 = arith.addf %add3A, %get3A_11 : vector<10112x128xf32>
    %get3A_13 = arith.constant 0 : index
    %get3A_14 = arith.constant 0 : index
    %get3A_15 = vector.load %arg3[%get3A_13, %get3A_14] : memref<128x128xf32, #tpu.memory_space<vmem>>, vector<128x128xf32>
    %dot_general3A = arith.constant dense<0.000000e+00> : vector<10112x128xf32>
    %dot_general3A_16 = tpu.matmul %add3A_12, %get3A_15, %dot_general3A {dimension_numbers = #tpu.dot_dimension_numbers<[1], [0], [0], [1], [0, 0, 1, 1], [], []>, transpose_lhs_hint = false} : vector<10112x128xf32>, vector<128x128xf32>, vector<10112x128xf32> -> vector<10112x128xf32>
    %get3A_17 = arith.constant 0 : index
    %get3A_18 = vector.load %arg4[%get3A_17] : memref<128xf32, #tpu.memory_space<vmem>>, vector<128xf32>
    %broadcast_in_dim3A = vector.shape_cast %get3A_18 : vector<128xf32> to vector<1x128xf32>
    %add3A_19 = vector.broadcast %broadcast_in_dim3A : vector<1x128xf32> to vector<10112x128xf32>
    %add3A_20 = arith.addf %dot_general3A_16, %add3A_19 : vector<10112x128xf32>
    %max3A = arith.constant 0.000000e+00 : f32
    %max3A_21 = vector.broadcast %max3A : f32 to vector<10112x128xf32>
    %max3A_22 = arith.maximumf %add3A_20, %max3A_21 : vector<10112x128xf32>
    %get3A_23 = arith.constant 0 : index
    %get3A_24 = arith.constant 0 : index
    %get3A_25 = vector.load %arg5[%get3A_23, %get3A_24] : memref<128x128xf32, #tpu.memory_space<vmem>>, vector<128x128xf32>
    %dot_general3A_26 = arith.constant dense<0.000000e+00> : vector<10112x128xf32>
    %dot_general3A_27 = tpu.matmul %max3A_22, %get3A_25, %dot_general3A_26 {dimension_numbers = #tpu.dot_dimension_numbers<[1], [0], [0], [1], [0, 0, 1, 1], [], []>, transpose_lhs_hint = false} : vector<10112x128xf32>, vector<128x128xf32>, vector<10112x128xf32> -> vector<10112x128xf32>
    %get3A_28 = arith.constant 0 : index
    %get3A_29 = vector.load %arg6[%get3A_28] : memref<128xf32, #tpu.memory_space<vmem>>, vector<128xf32>
    %broadcast_in_dim3A_30 = vector.shape_cast %get3A_29 : vector<128xf32> to vector<1x128xf32>
    %add3A_31 = vector.broadcast %broadcast_in_dim3A_30 : vector<1x128xf32> to vector<10112x128xf32>
    %add3A_32 = arith.addf %dot_general3A_27, %add3A_31 : vector<10112x128xf32>
    %iota3A = tpu.iota {dimensions = array<i32: 0>} : vector<10112x1xi32>
    %lt3A = arith.constant 10000 : i32
    %lt3A_33 = vector.broadcast %lt3A : i32 to vector<10112x1xi32>
    %lt3A_34 = arith.cmpi slt, %iota3A, %lt3A_33 : vector<10112x1xi32>
    %convert_element_type3A = arith.extui %lt3A_34 : vector<10112x1xi1> to vector<10112x1xi32>
    %convert_element_type3A_35 = arith.sitofp %convert_element_type3A : vector<10112x1xi32> to vector<10112x1xf32>
    %mul3A = vector.broadcast %convert_element_type3A_35 : vector<10112x1xf32> to vector<10112x128xf32>
    %mul3A_36 = arith.mulf %add3A_32, %mul3A : vector<10112x128xf32>
    %reduce_sum3A = arith.constant dense<0.000000e+00> : vector<128xf32>
    %reduce_sum3A_37 = vector.multi_reduction <add>, %mul3A_36, %reduce_sum3A [0] : vector<10112x128xf32> to vector<128xf32>
    %broadcast_in_dim3A_38 = vector.shape_cast %reduce_sum3A_37 : vector<128xf32> to vector<1x128xf32>
    %div3A = arith.constant 1.000000e+04 : f32
    %div3A_39 = vector.broadcast %div3A : f32 to vector<1x128xf32>
    %div3A_40 = arith.divf %broadcast_in_dim3A_38, %div3A_39 : vector<1x128xf32>
    %sub3A = vector.broadcast %div3A_40 : vector<1x128xf32> to vector<10112x128xf32>
    %sub3A_41 = arith.subf %add3A_32, %sub3A : vector<10112x128xf32>
    %integer_pow3A = arith.mulf %sub3A_41, %sub3A_41 : vector<10112x128xf32>
    %mul3A_42 = vector.broadcast %convert_element_type3A_35 : vector<10112x1xf32> to vector<10112x128xf32>
    %mul3A_43 = arith.mulf %integer_pow3A, %mul3A_42 : vector<10112x128xf32>
    %reduce_sum3A_44 = arith.constant dense<0.000000e+00> : vector<128xf32>
    %reduce_sum3A_45 = vector.multi_reduction <add>, %mul3A_43, %reduce_sum3A_44 [0] : vector<10112x128xf32> to vector<128xf32>
    %broadcast_in_dim3A_46 = vector.shape_cast %reduce_sum3A_45 : vector<128xf32> to vector<1x128xf32>
    %div3A_47 = arith.constant 1.000000e+04 : f32
    %div3A_48 = vector.broadcast %div3A_47 : f32 to vector<1x128xf32>
    %div3A_49 = arith.divf %broadcast_in_dim3A_46, %div3A_48 : vector<1x128xf32>
    %sub3A_50 = vector.broadcast %div3A_40 : vector<1x128xf32> to vector<10112x128xf32>
    %sub3A_51 = arith.subf %add3A_32, %sub3A_50 : vector<10112x128xf32>
    %add3A_52 = arith.constant 9.99999974E-6 : f32
    %add3A_53 = vector.broadcast %add3A_52 : f32 to vector<1x128xf32>
    %add3A_54 = arith.addf %div3A_49, %add3A_53 : vector<1x128xf32>
    %rsqrt3A = math.rsqrt %add3A_54 : vector<1x128xf32>
    %mul3A_55 = vector.broadcast %rsqrt3A : vector<1x128xf32> to vector<10112x128xf32>
    %mul3A_56 = arith.mulf %sub3A_51, %mul3A_55 : vector<10112x128xf32>
    %get3A_57 = arith.constant 0 : index
    %get3A_58 = vector.load %arg7[%get3A_57] : memref<128xf32, #tpu.memory_space<vmem>>, vector<128xf32>
    %broadcast_in_dim3A_59 = vector.shape_cast %get3A_58 : vector<128xf32> to vector<1x128xf32>
    %mul3A_60 = vector.broadcast %broadcast_in_dim3A_59 : vector<1x128xf32> to vector<10112x128xf32>
    %mul3A_61 = arith.mulf %mul3A_56, %mul3A_60 : vector<10112x128xf32>
    %get3A_62 = arith.constant 0 : index
    %get3A_63 = vector.load %arg8[%get3A_62] : memref<128xf32, #tpu.memory_space<vmem>>, vector<128xf32>
    %broadcast_in_dim3A_64 = vector.shape_cast %get3A_63 : vector<128xf32> to vector<1x128xf32>
    %add3A_65 = vector.broadcast %broadcast_in_dim3A_64 : vector<1x128xf32> to vector<10112x128xf32>
    %add3A_66 = arith.addf %mul3A_61, %add3A_65 : vector<10112x128xf32>
    %max3A_67 = arith.constant 0.000000e+00 : f32
    %max3A_68 = vector.broadcast %max3A_67 : f32 to vector<10112x128xf32>
    %max3A_69 = arith.maximumf %add3A_66, %max3A_68 : vector<10112x128xf32>
    %mul3A_70 = vector.broadcast %convert_element_type3A_35 : vector<10112x1xf32> to vector<10112x128xf32>
    %mul3A_71 = arith.mulf %max3A_69, %mul3A_70 : vector<10112x128xf32>
    %swap3A = arith.constant 0 : index
    %swap3A_72 = arith.constant 0 : index
    %swap3A_73 = vector.load %arg9[%swap3A, %swap3A_72] : memref<10112x128xf32, #tpu.memory_space<vmem>>, vector<10112x128xf32>
    tpu.vector_store %arg9[%swap3A, %swap3A_72], %mul3A_71 {strides = array<i32>} : memref<10112x128xf32, #tpu.memory_space<vmem>>, vector<10112x128xf32>,
    %get3A_74 = arith.constant 0 : index
    %get3A_75 = arith.constant 0 : index
    %get3A_76 = vector.load %arg2[%get3A_74, %get3A_75] : memref<10112x1xi32, #tpu.memory_space<vmem>>, vector<10112x1xi32>
    %iota3A_77 = tpu.iota {dimensions = array<i32: 1>} : vector<10112x64xi32>
    %eq3A = vector.broadcast %get3A_76 : vector<10112x1xi32> to vector<10112x64xi32>
    %eq3A_78 = arith.cmpi eq, %eq3A, %iota3A_77 : vector<10112x64xi32>
    %convert_element_type3A_79 = arith.extui %eq3A_78 : vector<10112x64xi1> to vector<10112x64xi32>
    %convert_element_type3A_80 = arith.sitofp %convert_element_type3A_79 : vector<10112x64xi32> to vector<10112x64xf32>
    %dot_general3A_81 = arith.constant dense<0.000000e+00> : vector<64x128xf32>
    %dot_general3A_82 = tpu.matmul %convert_element_type3A_80, %mul3A_71, %dot_general3A_81 {dimension_numbers = #tpu.dot_dimension_numbers<[0], [0], [1], [1], [0, 1, 1, 1], [], []>, transpose_lhs_hint = false} : vector<10112x64xf32>, vector<10112x128xf32>, vector<64x128xf32> -> vector<64x128xf32>
    %reduce_sum3A_83 = arith.constant dense<0.000000e+00> : vector<64xf32>
    %reduce_sum3A_84 = vector.multi_reduction <add>, %convert_element_type3A_80, %reduce_sum3A_83 [0] : vector<10112x64xf32> to vector<64xf32>
    %max3A_85 = arith.constant 1.000000e+00 : f32
    %max3A_86 = vector.broadcast %max3A_85 : f32 to vector<64xf32>
    %max3A_87 = arith.maximumf %reduce_sum3A_84, %max3A_86 : vector<64xf32>
    %broadcast_in_dim3A_88 = vector.shape_cast %max3A_87 : vector<64xf32> to vector<64x1xf32>
    %div3A_89 = vector.broadcast %broadcast_in_dim3A_88 : vector<64x1xf32> to vector<64x128xf32>
    %div3A_90 = arith.divf %dot_general3A_82, %div3A_89 : vector<64x128xf32>
    %swap3A_91 = arith.constant 0 : index
    %swap3A_92 = arith.constant 0 : index
    %swap3A_93 = vector.load %arg10[%swap3A_91, %swap3A_92] : memref<64x128xf32, #tpu.memory_space<vmem>>, vector<64x128xf32>
    tpu.vector_store %arg10[%swap3A_91, %swap3A_92], %div3A_90 {strides = array<i32>} : memref<64x128xf32, #tpu.memory_space<vmem>>, vector<64x128xf32>,
    return
  }
}

module attributes {stable_mosaic.version = 14 : i64} {
  func.func @_layer_body(%arg0: memref<10112x128xf32, #tpu.memory_space<vmem>>, %arg1: memref<2x10112x128xf32, #tpu.memory_space<vmem>>, %arg2: memref<10112x1xi32, #tpu.memory_space<vmem>>, %arg3: memref<128x128xf32, #tpu.memory_space<vmem>>, %arg4: memref<128xf32, #tpu.memory_space<vmem>>, %arg5: memref<128x128xf32, #tpu.memory_space<vmem>>, %arg6: memref<128xf32, #tpu.memory_space<vmem>>, %arg7: memref<128xf32, #tpu.memory_space<vmem>>, %arg8: memref<128xf32, #tpu.memory_space<vmem>>, %arg9: memref<10112x128xf32, #tpu.memory_space<vmem>>, %arg10: memref<64x128xf32, #tpu.memory_space<vmem>>) attributes {dimension_semantics = [], scalar_prefetch = 0 : i64, scratch_operands = 0 : i64, tpu.core_type = #tpu.core_type<tc>} {
    %get3A = arith.constant 0 : index
    %get3A_0 = arith.constant 0 : index
    %get3A_1 = vector.load %arg0[%get3A, %get3A_0] : memref<10112x128xf32, #tpu.memory_space<vmem>>, vector<10112x128xf32>
    %get3A_2 = arith.constant 0 : index
    %get3A_3 = arith.constant 0 : index
    %get3A_4 = arith.constant 0 : index
    %get3A_5 = vector.load %arg1[%get3A_2, %get3A_3, %get3A_4] : memref<2x10112x128xf32, #tpu.memory_space<vmem>>, vector<1x10112x128xf32>
    %get3A_6 = vector.shape_cast %get3A_5 : vector<1x10112x128xf32> to vector<10112x128xf32>
    %add3A = arith.addf %get3A_1, %get3A_6 : vector<10112x128xf32>
    %get3A_7 = arith.constant 1 : index
    %get3A_8 = arith.constant 0 : index
    %get3A_9 = arith.constant 0 : index
    %get3A_10 = vector.load %arg1[%get3A_7, %get3A_8, %get3A_9] : memref<2x10112x128xf32, #tpu.memory_space<vmem>>, vector<1x10112x128xf32>
    %get3A_11 = vector.shape_cast %get3A_10 : vector<1x10112x128xf32> to vector<10112x128xf32>
    %add3A_12 = arith.addf %add3A, %get3A_11 : vector<10112x128xf32>
    %get3A_13 = arith.constant 0 : index
    %get3A_14 = arith.constant 0 : index
    %get3A_15 = vector.load %arg3[%get3A_13, %get3A_14] : memref<128x128xf32, #tpu.memory_space<vmem>>, vector<128x128xf32>
    %dot_general3A = arith.constant dense<0.000000e+00> : vector<10112x128xf32>
    %dot_general3A_16 = tpu.matmul %add3A_12, %get3A_15, %dot_general3A {dimension_numbers = #tpu.dot_dimension_numbers<[1], [0], [0], [1], [0, 0, 1, 1], [], []>, transpose_lhs_hint = false} : vector<10112x128xf32>, vector<128x128xf32>, vector<10112x128xf32> -> vector<10112x128xf32>
    %get3A_17 = arith.constant 0 : index
    %get3A_18 = vector.load %arg4[%get3A_17] : memref<128xf32, #tpu.memory_space<vmem>>, vector<128xf32>
    %broadcast_in_dim3A = vector.shape_cast %get3A_18 : vector<128xf32> to vector<1x128xf32>
    %add3A_19 = vector.broadcast %broadcast_in_dim3A : vector<1x128xf32> to vector<10112x128xf32>
    %add3A_20 = arith.addf %dot_general3A_16, %add3A_19 : vector<10112x128xf32>
    %max3A = arith.constant 0.000000e+00 : f32
    %max3A_21 = vector.broadcast %max3A : f32 to vector<10112x128xf32>
    %max3A_22 = arith.maximumf %add3A_20, %max3A_21 : vector<10112x128xf32>
    %get3A_23 = arith.constant 0 : index
    %get3A_24 = arith.constant 0 : index
    %get3A_25 = vector.load %arg5[%get3A_23, %get3A_24] : memref<128x128xf32, #tpu.memory_space<vmem>>, vector<128x128xf32>
    %dot_general3A_26 = arith.constant dense<0.000000e+00> : vector<10112x128xf32>
    %dot_general3A_27 = tpu.matmul %max3A_22, %get3A_25, %dot_general3A_26 {dimension_numbers = #tpu.dot_dimension_numbers<[1], [0], [0], [1], [0, 0, 1, 1], [], []>, transpose_lhs_hint = false} : vector<10112x128xf32>, vector<128x128xf32>, vector<10112x128xf32> -> vector<10112x128xf32>
    %get3A_28 = arith.constant 0 : index
    %get3A_29 = vector.load %arg6[%get3A_28] : memref<128xf32, #tpu.memory_space<vmem>>, vector<128xf32>
    %broadcast_in_dim3A_30 = vector.shape_cast %get3A_29 : vector<128xf32> to vector<1x128xf32>
    %add3A_31 = vector.broadcast %broadcast_in_dim3A_30 : vector<1x128xf32> to vector<10112x128xf32>
    %add3A_32 = arith.addf %dot_general3A_27, %add3A_31 : vector<10112x128xf32>
    %iota3A = tpu.iota {dimensions = array<i32: 0>} : vector<10112x1xi32>
    %lt3A = arith.constant 10000 : i32
    %lt3A_33 = vector.broadcast %lt3A : i32 to vector<10112x1xi32>
    %lt3A_34 = arith.cmpi slt, %iota3A, %lt3A_33 : vector<10112x1xi32>
    %convert_element_type3A = arith.extui %lt3A_34 : vector<10112x1xi1> to vector<10112x1xi32>
    %convert_element_type3A_35 = arith.sitofp %convert_element_type3A : vector<10112x1xi32> to vector<10112x1xf32>
    %mul3A = vector.broadcast %convert_element_type3A_35 : vector<10112x1xf32> to vector<10112x128xf32>
    %mul3A_36 = arith.mulf %add3A_32, %mul3A : vector<10112x128xf32>
    %reduce_sum3A = arith.constant dense<0.000000e+00> : vector<128xf32>
    %reduce_sum3A_37 = vector.multi_reduction <add>, %mul3A_36, %reduce_sum3A [0] : vector<10112x128xf32> to vector<128xf32>
    %broadcast_in_dim3A_38 = vector.shape_cast %reduce_sum3A_37 : vector<128xf32> to vector<1x128xf32>
    %div3A = arith.constant 1.000000e+04 : f32
    %div3A_39 = vector.broadcast %div3A : f32 to vector<1x128xf32>
    %div3A_40 = arith.divf %broadcast_in_dim3A_38, %div3A_39 : vector<1x128xf32>
    %sub3A = vector.broadcast %div3A_40 : vector<1x128xf32> to vector<10112x128xf32>
    %sub3A_41 = arith.subf %add3A_32, %sub3A : vector<10112x128xf32>
    %integer_pow3A = arith.mulf %sub3A_41, %sub3A_41 : vector<10112x128xf32>
    %mul3A_42 = vector.broadcast %convert_element_type3A_35 : vector<10112x1xf32> to vector<10112x128xf32>
    %mul3A_43 = arith.mulf %integer_pow3A, %mul3A_42 : vector<10112x128xf32>
    %reduce_sum3A_44 = arith.constant dense<0.000000e+00> : vector<128xf32>
    %reduce_sum3A_45 = vector.multi_reduction <add>, %mul3A_43, %reduce_sum3A_44 [0] : vector<10112x128xf32> to vector<128xf32>
    %broadcast_in_dim3A_46 = vector.shape_cast %reduce_sum3A_45 : vector<128xf32> to vector<1x128xf32>
    %div3A_47 = arith.constant 1.000000e+04 : f32
    %div3A_48 = vector.broadcast %div3A_47 : f32 to vector<1x128xf32>
    %div3A_49 = arith.divf %broadcast_in_dim3A_46, %div3A_48 : vector<1x128xf32>
    %sub3A_50 = vector.broadcast %div3A_40 : vector<1x128xf32> to vector<10112x128xf32>
    %sub3A_51 = arith.subf %add3A_32, %sub3A_50 : vector<10112x128xf32>
    %add3A_52 = arith.constant 9.99999974E-6 : f32
    %add3A_53 = vector.broadcast %add3A_52 : f32 to vector<1x128xf32>
    %add3A_54 = arith.addf %div3A_49, %add3A_53 : vector<1x128xf32>
    %rsqrt3A = math.rsqrt %add3A_54 : vector<1x128xf32>
    %mul3A_55 = vector.broadcast %rsqrt3A : vector<1x128xf32> to vector<10112x128xf32>
    %mul3A_56 = arith.mulf %sub3A_51, %mul3A_55 : vector<10112x128xf32>
    %get3A_57 = arith.constant 0 : index
    %get3A_58 = vector.load %arg7[%get3A_57] : memref<128xf32, #tpu.memory_space<vmem>>, vector<128xf32>
    %broadcast_in_dim3A_59 = vector.shape_cast %get3A_58 : vector<128xf32> to vector<1x128xf32>
    %mul3A_60 = vector.broadcast %broadcast_in_dim3A_59 : vector<1x128xf32> to vector<10112x128xf32>
    %mul3A_61 = arith.mulf %mul3A_56, %mul3A_60 : vector<10112x128xf32>
    %get3A_62 = arith.constant 0 : index
    %get3A_63 = vector.load %arg8[%get3A_62] : memref<128xf32, #tpu.memory_space<vmem>>, vector<128xf32>
    %broadcast_in_dim3A_64 = vector.shape_cast %get3A_63 : vector<128xf32> to vector<1x128xf32>
    %add3A_65 = vector.broadcast %broadcast_in_dim3A_64 : vector<1x128xf32> to vector<10112x128xf32>
    %add3A_66 = arith.addf %mul3A_61, %add3A_65 : vector<10112x128xf32>
    %max3A_67 = arith.constant 0.000000e+00 : f32
    %max3A_68 = vector.broadcast %max3A_67 : f32 to vector<10112x128xf32>
    %max3A_69 = arith.maximumf %add3A_66, %max3A_68 : vector<10112x128xf32>
    %mul3A_70 = vector.broadcast %convert_element_type3A_35 : vector<10112x1xf32> to vector<10112x128xf32>
    %mul3A_71 = arith.mulf %max3A_69, %mul3A_70 : vector<10112x128xf32>
    %swap3A = arith.constant 0 : index
    %swap3A_72 = arith.constant 0 : index
    %swap3A_73 = vector.load %arg9[%swap3A, %swap3A_72] : memref<10112x128xf32, #tpu.memory_space<vmem>>, vector<10112x128xf32>
    tpu.vector_store %arg9[%swap3A, %swap3A_72], %mul3A_71 {strides = array<i32>} : memref<10112x128xf32, #tpu.memory_space<vmem>>, vector<10112x128xf32>,
    %get3A_74 = arith.constant 0 : index
    %get3A_75 = arith.constant 0 : index
    %get3A_76 = vector.load %arg2[%get3A_74, %get3A_75] : memref<10112x1xi32, #tpu.memory_space<vmem>>, vector<10112x1xi32>
    %iota3A_77 = tpu.iota {dimensions = array<i32: 1>} : vector<10112x64xi32>
    %eq3A = vector.broadcast %get3A_76 : vector<10112x1xi32> to vector<10112x64xi32>
    %eq3A_78 = arith.cmpi eq, %eq3A, %iota3A_77 : vector<10112x64xi32>
    %convert_element_type3A_79 = arith.extui %eq3A_78 : vector<10112x64xi1> to vector<10112x64xi32>
    %convert_element_type3A_80 = arith.sitofp %convert_element_type3A_79 : vector<10112x64xi32> to vector<10112x64xf32>
    %dot_general3A_81 = arith.constant dense<0.000000e+00> : vector<64x128xf32>
    %dot_general3A_82 = tpu.matmul %convert_element_type3A_80, %mul3A_71, %dot_general3A_81 {dimension_numbers = #tpu.dot_dimension_numbers<[0], [0], [1], [1], [0, 1, 1, 1], [], []>, transpose_lhs_hint = false} : vector<10112x64xf32>, vector<10112x128xf32>, vector<64x128xf32> -> vector<64x128xf32>
    %reduce_sum3A_83 = arith.constant dense<0.000000e+00> : vector<64xf32>
    %reduce_sum3A_84 = vector.multi_reduction <add>, %convert_element_type3A_80, %reduce_sum3A_83 [0] : vector<10112x64xf32> to vector<64xf32>
    %max3A_85 = arith.constant 1.000000e+00 : f32
    %max3A_86 = vector.broadcast %max3A_85 : f32 to vector<64xf32>
    %max3A_87 = arith.maximumf %reduce_sum3A_84, %max3A_86 : vector<64xf32>
    %broadcast_in_dim3A_88 = vector.shape_cast %max3A_87 : vector<64xf32> to vector<64x1xf32>
    %div3A_89 = vector.broadcast %broadcast_in_dim3A_88 : vector<64x1xf32> to vector<64x128xf32>
    %div3A_90 = arith.divf %dot_general3A_82, %div3A_89 : vector<64x128xf32>
    %swap3A_91 = arith.constant 0 : index
    %swap3A_92 = arith.constant 0 : index
    %swap3A_93 = vector.load %arg10[%swap3A_91, %swap3A_92] : memref<64x128xf32, #tpu.memory_space<vmem>>, vector<64x128xf32>
    tpu.vector_store %arg10[%swap3A_91, %swap3A_92], %div3A_90 {strides = array<i32>} : memref<64x128xf32, #tpu.memory_space<vmem>>, vector<64x128xf32>,
    return
  }
}

module attributes {stable_mosaic.version = 14 : i64} {
  func.func @_final_body(%arg0: memref<64x128xf32, #tpu.memory_space<vmem>>, %arg1: memref<64x128xf32, #tpu.memory_space<vmem>>, %arg2: memref<64x128xf32, #tpu.memory_space<vmem>>, %arg3: memref<384x64xf32, #tpu.memory_space<vmem>>, %arg4: memref<64xf32, #tpu.memory_space<vmem>>, %arg5: memref<64x64xf32, #tpu.memory_space<vmem>>) attributes {dimension_semantics = [], scalar_prefetch = 0 : i64, scratch_operands = 0 : i64, tpu.core_type = #tpu.core_type<tc>} {
    %get3A = arith.constant 0 : index
    %get3A_0 = arith.constant 0 : index
    %get3A_1 = vector.load %arg0[%get3A, %get3A_0] : memref<64x128xf32, #tpu.memory_space<vmem>>, vector<64x128xf32>
    %get3A_2 = arith.constant 0 : index
    %get3A_3 = arith.constant 0 : index
    %get3A_4 = vector.load %arg1[%get3A_2, %get3A_3] : memref<64x128xf32, #tpu.memory_space<vmem>>, vector<64x128xf32>
    %get3A_5 = arith.constant 0 : index
    %get3A_6 = arith.constant 0 : index
    %get3A_7 = vector.load %arg2[%get3A_5, %get3A_6] : memref<64x128xf32, #tpu.memory_space<vmem>>, vector<64x128xf32>
    %concatenate3A = tpu.concatenate %get3A_1, %get3A_4, %get3A_7 in 1 : vector<64x128xf32>, vector<64x128xf32>, vector<64x128xf32> -> vector<64x384xf32>
    %get3A_8 = arith.constant 0 : index
    %get3A_9 = arith.constant 0 : index
    %get3A_10 = vector.load %arg3[%get3A_8, %get3A_9] : memref<384x64xf32, #tpu.memory_space<vmem>>, vector<384x64xf32>
    %dot_general3A = arith.constant dense<0.000000e+00> : vector<64x64xf32>
    %dot_general3A_11 = tpu.matmul %concatenate3A, %get3A_10, %dot_general3A {dimension_numbers = #tpu.dot_dimension_numbers<[1], [0], [0], [1], [0, 0, 1, 1], [], []>, transpose_lhs_hint = false} : vector<64x384xf32>, vector<384x64xf32>, vector<64x64xf32> -> vector<64x64xf32>
    %get3A_12 = arith.constant 0 : index
    %get3A_13 = vector.load %arg4[%get3A_12] : memref<64xf32, #tpu.memory_space<vmem>>, vector<64xf32>
    %broadcast_in_dim3A = vector.shape_cast %get3A_13 : vector<64xf32> to vector<1x64xf32>
    %add3A = vector.broadcast %broadcast_in_dim3A : vector<1x64xf32> to vector<64x64xf32>
    %add3A_14 = arith.addf %dot_general3A_11, %add3A : vector<64x64xf32>
    %mul3A = arith.mulf %add3A_14, %add3A_14 : vector<64x64xf32>
    %reduce_sum3A = arith.constant dense<0.000000e+00> : vector<64xf32>
    %reduce_sum3A_15 = vector.multi_reduction <add>, %mul3A, %reduce_sum3A [1] : vector<64x64xf32> to vector<64xf32>
    %broadcast_in_dim3A_16 = vector.shape_cast %reduce_sum3A_15 : vector<64xf32> to vector<64x1xf32>
    %sqrt3A = math.sqrt %broadcast_in_dim3A_16 : vector<64x1xf32>
    %max3A = arith.constant 9.99999996E-13 : f32
    %max3A_17 = vector.broadcast %max3A : f32 to vector<64x1xf32>
    %max3A_18 = arith.maximumf %sqrt3A, %max3A_17 : vector<64x1xf32>
    %div3A = vector.broadcast %max3A_18 : vector<64x1xf32> to vector<64x64xf32>
    %div3A_19 = arith.divf %add3A_14, %div3A : vector<64x64xf32>
    %swap3A = arith.constant 0 : index
    %swap3A_20 = arith.constant 0 : index
    %swap3A_21 = vector.load %arg5[%swap3A, %swap3A_20] : memref<64x64xf32, #tpu.memory_space<vmem>>, vector<64x64xf32>
    tpu.vector_store %arg5[%swap3A, %swap3A_20], %div3A_19 {strides = array<i32>} : memref<64x64xf32, #tpu.memory_space<vmem>>, vector<64x64xf32>,
    return
  }
}

</mosaic_0001>

<sc_bundles>
// kernel: kernel.12.cloned.1.call-start
scs
__scs_entry_jumppad:
0x0: {  	(pc) =	sbr.rel $0x88, $3  }
0x1: {  	(tag) =	ssettag $0x0;
	lr =	simm.s32 $0x1  }
0x2: {  	[smem:$0x3F8A] =	sst lr;
	_ =	strace $0xD0000000  }
0x3: {  	_ = 	snop  }
0x4: {  	_ = 	snop  }
0x5: {  	_ = 	snop  }
0x6: {  	_ = 	snop  }
0x7: {  	_ = 	snop  }
__scs_overlays_trampoline_lowered:
0x8: {  	[smem:$0x3F99] =	sst s0  }
0x9: {  	[smem:$0x3F9A] =	sst s1  }
0xa: {  	[smem:$0x3F9B] =	sst s2  }
0xb: {  	[smem:$0x3F9C] =	sst s3  }
0xc: {  	[smem:$0x3F9D] =	sst s4  }
0xd: {  	[smem:$0x3F9E] =	sst s5  }
0xe: {  	[smem:$0x3F9F] =	sst s6  }
0xf: {  	[smem:$0x3FA0] =	sst s7  }
0x10: {  	[smem:$0x3FA1] =	sst s8  }
0x11: {  	[smem:$0x3FA2] =	sst s9;
	s0 =	simm.s32 @!p0 $0x0  }
0x12: {  	s1 =	sld [smem:$0x3F88];
	s0 =	simm.s32 @p0 $0x1  }
0x13: {  	[smem:$0x3FA3] =	sst s0;
	s0 =	simm.s32 @!p1 $0x0  }
0x14: {  	s2 =	sld [smem:$0x3F87];
	s0 =	simm.s32 @p1 $0x1  }
0x15: {  	[smem:$0x3FA4] =	sst s0;
	s0 =	simm.s32 @!p2 $0x0  }
0x16: {  	s3 =	sld [smem:$0x3FDB];
	s0 =	simm.s32 @p2 $0x1  }
0x17: {  	s4 =	simm.s32 $0x1BF5;
	[smem:$0x3FA6] =	sst s0  }
0x18: {  	s0 =	sld [smem:$0x3F89];
	_ =	swait.ge [sflag:s4], $0x0  }
0x19: {  	s7 =	sld [smem:$0x3F8A]  }
0x1a: {  	s8 =	sadd.s32 $0xFFFFE003, lr  }
0x1b: {  	s9 =	sadd.s32 $0xFFFFFEF7, lr;
	s5 =	simm.s32 $0xFFFFFFFF;
	p2 =	slt.u32 s8, $0xFFFFF086  }
0x1c: {  	p1 =	slt.u32 s9, $0xF7A;
	s5 =	simm.s32 @!p2 $0x0  }
0x1d: {  	s5 =	simm.s32 @p1 $0x1;
	p0 =	seq.s32 s7, s2  }
0x1e: {  	s7 =	smul.u32 @!p0 $0xF7A, s2;
	p2 =	seq.s32 @!p0 s5, $0x0  }
0x1f: {  	s9 =	smul.u32 $0xF7A, s1;
	s8 =	simm.s32 @!p0 $0x1BF5;
	p2 =	por !p2, p0  }
0x20: {  	[sflag:s8] =	ssyncset.s32 @!p0 $0xFFFFF086;
	s6 =	sadd.s32 @!p0 s3, s7;
	s7 =	simm.s32 @!p0 $0x108  }
0x21: {  	s3 =	sadd.s32 s3, s9;
	s6 =	sadd.s32 @!p0 $0x88, s6;
	s7 =	simm.s32 @p2 $0x1082  }
0x22: {  	[simem:s7], [sflag:s8] =	dma.local @!p0 [hbm:s6], $0xF7A  }
0x23: {  	s9 =	sor.u32 $0xD0000000, s2;
	s6 =	simm.s32 $0x108;
	_ =	swait.ge @!p0 [sflag:s8], $0x0  }
0x24: {  	s3 =	sadd.s32 $0x88, s3;
	s6 =	simm.s32 @!p1 $0x1082;
	[sflag:s4] =	ssyncset.s32 $0xFFFFF086  }
0x25: {  	[simem:s6], [sflag:s4] =	dma.local [hbm:s3], $0xF7A  }
0x26: {  	[smem:$0x3F8A] =	sst s1;
	(tag) =	ssettag s2;
	_ =	strace s9  }
0x27: {  	s1 =	sld [smem:$0x3F9A]  }
0x28: {  	s2 =	sld [smem:$0x3F9B]  }
0x29: {  	s4 =	sld [smem:$0x3F9D]  }
0x2a: {  	p0 =	seq.s32 s5, $0x0;
	s5 =	sld [smem:$0x3F9E]  }
0x2b: {  	s6 =	sld [smem:$0x3F9F]  }
0x2c: {  	s7 =	sld [smem:$0x3FA0]  }
0x2d: {  	s3 =	simm.s32 $0x108;
	s8 =	sld [smem:$0x3FA1]  }
0x2e: {  	s3 =	simm.s32 @!p0 $0x1082;
	s9 =	sld [smem:$0x3FA2]  }
0x2f: {  	lr =	sadd.s32 s0, s3;
	s0 =	sld [smem:$0x3F99]  }
0x30: {  	s3 =	sld [smem:$0x3F9C]  }
0x31: {  	[smem:$0x3FA5] =	sst s10  }
0x32: {  	s10 =	sld [smem:$0x3FA3];
	_ =	sdelay $0x3  }
0x33: {  	p0 =	seq.s32 s10, $0x1;
	s10 =	sld [smem:$0x3FA5];
	_ =	sdelay $0x3  }
0x34: {  	[smem:$0x3FA5] =	sst s10  }
0x35: {  	s10 =	sld [smem:$0x3FA4];
	_ =	sdelay $0x3  }
0x36: {  	p1 =	seq.s32 s10, $0x1;
	s10 =	sld [smem:$0x3FA5];
	_ =	sdelay $0x3  }
0x37: {  	[smem:$0x3FA5] =	sst s10  }
0x38: {  	s10 =	sld [smem:$0x3FA6]  }
0x39: {  	_ = 	snop;
	(pc) =	sbr.ind lr, $3  }
0x3a: {  	_ = 	snop  }
0x3b: {  	_ = 	snop  }
0x3c: {  	p2 =	seq.s32 s10, $0x1;
	s10 =	sld [smem:$0x3FA5]  }
0x3d: {  	_ =	shalt  }
0x3e: {  	_ =	shalt  }
0x3f: {  	_ =	shalt  }
0x40: {  	_ =	shalt  }
0x41: {  	_ =	shalt  }
0x42: {  	_ =	shalt  }
0x43: {  	_ =	shalt  }
0x44: {  	_ =	shalt  }
0x45: {  	_ =	shalt  }
0x46: {  	_ =	shalt  }
0x47: {  	_ =	shalt  }
0x48: {  	_ =	shalt  }
0x49: {  	_ =	shalt  }
0x4a: {  	_ =	shalt  }
0x4b: {  	_ =	shalt  }
0x4c: {  	_ =	shalt  }
0x4d: {  	_ =	shalt  }
0x4e: {  	_ =	shalt  }
0x4f: {  	_ =	shalt  }
0x50: {  	_ =	shalt  }
0x51: {  	_ =	shalt  }
0x52: {  	_ =	shalt  }
0x53: {  	_ =	shalt  }
0x54: {  	_ =	shalt  }
0x55: {  	_ =	shalt  }
0x56: {  	_ =	shalt  }
0x57: {  	_ =	shalt  }
0x58: {  	_ =	shalt  }
0x59: {  	_ =	shalt  }
0x5a: {  	_ =	shalt  }
0x5b: {  	_ =	shalt  }
0x5c: {  	_ =	shalt  }
0x5d: {  	_ =	shalt  }
0x5e: {  	_ =	shalt  }
0x5f: {  	_ =	shalt  }
0x60: {  	_ =	shalt  }
0x61: {  	_ =	shalt  }
0x62: {  	_ =	shalt  }
0x63: {  	_ =	shalt  }
0x64: {  	_ =	shalt  }
0x65: {  	_ =	shalt  }
0x66: {  	_ =	shalt  }
0x67: {  	_ =	shalt  }
0x68: {  	_ =	shalt  }
0x69: {  	_ =	shalt  }
0x6a: {  	_ =	shalt  }
0x6b: {  	_ =	shalt  }
0x6c: {  	_ =	shalt  }
0x6d: {  	_ =	shalt  }
0x6e: {  	_ =	shalt  }
0x6f: {  	_ =	shalt  }
0x70: {  	_ =	shalt  }
0x71: {  	_ =	shalt  }
0x72: {  	_ =	shalt  }
0x73: {  	_ =	shalt  }
0x74: {  	_ =	shalt  }
0x75: {  	_ =	shalt  }
0x76: {  	_ =	shalt  }
0x77: {  	_ =	shalt  }
0x78: {  	_ =	shalt  }
0x79: {  	_ =	shalt  }
0x7a: {  	_ =	shalt  }
0x7b: {  	_ =	shalt  }
0x7c: {  	_ =	shalt  }
0x7d: {  	_ =	shalt  }
0x7e: {  	_ =	shalt  }
0x7f: {  	_ =	shalt  }
0x80: {  	_ =	shalt  }
0x81: {  	_ =	shalt  }
0x82: {  	_ =	shalt  }
0x83: {  	_ =	shalt  }
0x84: {  	_ =	shalt  }
0x85: {  	_ =	shalt  }
0x86: {  	_ =	shalt  }
0x87: {  	_ =	shalt  }
.Lfunc_end0:
.L_simem_size_0:
called_computation.1_lowered:
.L_overlay_start_0:
0x88: {  	s2 =	sld [smem:$0x3FD9]  }
0x89: {  	s3 =	sld [smem:$0x3FFE];
	_ =	sdelay $0x1  }
0x8a: {  	s1 =	srdreg.scid  }
0x8b: {  	s0 =	sand.u32 $0x1, s1  }
0x8c: {  	s16 =	sshll.u32 s0, $0xA;
	s2 =	sadd.s32 s3, s2  }
0x8d: {  	s2 =	sadd.s32 s2, s16  }
0x8e: {  	[smem:$0x3FB1] =	sst s2  }
0x8f: {  	_ = 	snop  }
0x90: {  	(tm) =	ssettm $0x1  }
0x91: {  	s17 =	sld [smem:$0x3FFB];
	_ =	sdelay $0x3  }
0x92: {  	_ =	strace s17  }
0x93: {  	s2 =	sld [smem:$0x3FFC];
	_ =	sdelay $0x3  }
0x94: {  	_ =	strace s2  }
0x95: {  	s2 =	sld [smem:$0x3FFD];
	_ =	sdelay $0x3  }
0x96: {  	_ =	strace s2  }
0x97: {  	_ =	strace $0x8FFFFFFF  }
0x98: {  	s18 =	sld [smem:$0x3FDB];
	_ =	sdelay $0x1  }
0x99: {  	s19 =	simm.s32 $_scs_section_size  }
0x9a: {  	s4 =	simm.s32 $_size__tile_overlayer_lowered;
	s5 =	simm.s32 $_tile_overlayer_lowered  }
0x9b: {  	s22 =	simm.s32 $0x1BFF;
	s21 =	sshll.u32 s5, $0x1;
	s2 =	sadd.s32 s19, s18  }
0x9c: {  	s6 =	simm.s32 $0x0;
	s20 =	sshll.u32 s4, $0x1;
	s4 =	sadd.s32 s21, s2  }
0x9d: {  	[timem:s6], [sflag:s22] =	dma.local [hbm:s4], s20  }
0x9e: {  	_ =	swait.ge [sflag:s22], s20  }
0x9f: {  	s3 =	ssub.s32 $0x0, s20;
	[sflag:s22] =	ssyncset.done $0x0  }
0xa0: {  	[sflag:s22] =	ssyncadd.s32 s3;
	_ =	sdelay $0x1  }
0xa1: {  	s23 =	simm.s32 $0x1B8B  }
0xa2: {  	_ =	swait.ge [sflag:s23], $0x1  }
0xa3: {  	[sflag:s23] =	ssyncset.done $0x0  }
0xa4: {  	s25 =	simm.s32 $0x1B8E;
	s24 =	sld [smem:$0x3FFE];
	[sflag:s23] =	ssyncadd.s32 $0xFFFFFFFF  }
0xa5: {  	s26 =	simm.s32 $execute0_lowered;
	[smem:$0x3FD2] =	sst s25  }
0xa6: {  	s4 =	sshll.u32 s26, $0x1;
	_ =	strace $0x80000049;
	[dreg:$0x1] =	wrdreg $0xFFFFFFFF  }
0xa7: {  	s28 =	simm.s32 $_size_execute0_lowered;
	s2 =	sadd.s32 s2, s4;
	[dreg:$0x0] =	wrdreg $0x0  }
0xa8: {  	s4 =	sshll.u32 s28, $0x1;
	[dreg:$0x2] =	wrdreg s2  }
0xa9: {  	[dreg:$0x3] =	wrdreg s4  }
0xaa: {  	[dreg:$0x4] =	wrdreg $0xC0  }
0xab: {  	_ =	task [dreg:s6], $0x5FFFF  }
0xac: {  	[dreg:$0x1] =	wrdreg $0xFFFFFFFF  }
0xad: {  	[dreg:$0x0] =	wrdreg $0x60  }
0xae: {  	[dreg:$0x2] =	wrdreg s24  }
0xaf: {  	[dreg:$0x3] =	wrdreg $0x0  }
0xb0: {  	[dreg:$0x4] =	wrdreg $0x9  }
0xb1: {  	_ =	task.clear_ibuf [dreg:s6], $0x5FFFF;
	_ =	strace $0x90000049  }
0xb2: {  	s29 =	simm.s32 $0x9;
	_ =	strace $0x8000004B  }
0xb3: {  	_ =	swait.ge [sflag:s29], $0x1  }
0xb4: {  	[sflag:s29] =	ssyncadd.s32 $0xFFFFFFFF  }
0xb5: {  	_ =	strace $0x9000004B  }
0xb6: {  	_ =	sfence  }
0xb7: {  	s30 =	sld [smem:$0x0];
	_ =	sdelay $0x2  }
0xb8: {  	s31 =	sshll.u32 s1, $0xD;
	s1 =	sshrl.u32 s1, $0x2  }
0xb9: {  	s3 =	sand.u32 $0x4000, s31;
	s1 =	sadd.s32 s1, s30  }
0xba: {  	s0 =	sor.u32 s3, s0;
	s1 =	sshll.u32 s1, $0x11  }
0xbb: {  	s0 =	sor.u32 s1, s0  }
0xbc: {  	s0 =	sadd.s32 $0x8F2B, s0  }
0xbd: {  	[sflag:s0] =	ssyncadd.remote.s32 $0x1  }
0xbe: {  	_ =	sfence.sel $0xFFFF  }
0xbf: {  	[dreg:$0x0] =	wrdreg $0xFFFFFFFF;
	(pc) =	sbr.abs _section_cstart, $3  }
0xc0: {  	[dreg:$0x1] =	wrdreg $0xFFFFFFFF  }
0xc1: {  	_ =	task.clear_ibuf [dreg:s6], $0x2FFFF;
	_ =	strace $0x9FFFFFFF  }
0xc2: {  	(tm) =	ssettm $0x7FFFFFFF  }
0xc3: {  	_ =	shalt  }
tec
execute0_lowered:
.L_overlay_start_1:
0x0: {  	(tag) =	ssettag $0x1  }
0x1: {  	s5 =	rddreg [dreg:$0x0]  }
0x2: {  	s0 =	srdreg.scid;
	s2 =	rddreg [dreg:$0x1]  }
0x3: {  	s1 =	stileid.u32;
	s3 =	simm.s32 $0x0;
	s14 =	simm.s32 $0x13C80  }
0x4: {  	s15 =	simm.s32 $0x80;
	s16 =	simm.s32 $0x13D00;
	s8 =	smul.u32 $0x13C00, s1  }
0x5: {  	s17 =	simm.s32 $0x1;
	s18 =	simm.s32 $0x0;
	s10 =	smul.u32 $0x4F000, s1  }
0x6: {  	s6 =	sand.u32 $0x1, s0;
	s0 =	rddreg [dreg:$0x2];
	s11 =	smul.u32 $0x4F0, s1  }
0x7: {  	[smem:$0x7FF] =	sst s3;
	s4 =	sadd.s32 $0x18200, s5;
	s7 =	smul.u32 $0x4F00, s6  }
0x8: {  	s30 =	sshll.u32 s1, $0x6;
	s9 =	smul.u32 $0x13C000, s6;
	s29 =	ssub.s32 $0x2, s6  }
0x9: {  	_ =	strace $0x8000004A;
	s6 =	sshrl.u32 s29, $0x1;
	s10 =	sshrl.u32 s10, $0x2  }
0xa: {  	s7 =	sadd.s32 s7, s5;
	s9 =	sadd.s32 s8, s9;
	s8 =	sshrl.u32 s8, $0x3  }
0xb: {  	s12 =	ssub.s32 s29, s6;
	s13 =	sadd.s32 s10, s2;
	s6 =	sor.u32 $0x1C02, s30  }
0xc: {  	s9 =	sshrl.u32 s9, $0x3;
	s8 =	sadd.s32 s8, s5;
	s31 =	sadd.s32 s11, s7  }
0xd: {  	s11 =	sshrl.u32 s13, $0x3;
	s13 =	simm.s32 $0x13C00;
	s9 =	sadd.s32 s9, s5  }
0xe: {  	s5 =	sadd.s32 $0x3FA00, s8;
	s8 =	smax.u32 s12, $0x1;
	s10 =	sadd.s32 $0x4600, s31  }
0xf: {  	s12 =	simm.s32 $0x2;
	s7 =	sadd.s32 $0x67200, s9;
	s9 =	sadd.s32 $0xE400, s31  }
.LBB2_1:
0x10: {  	[spmem:s11], [sflag:s6] =	dma.local [hbm:s5], $0x2780  }
0x11: {  	_ =	swait.ge [sflag:s12], $0x2780  }
0x12: {  	[sflag:s12] =	ssyncset.done $0x0  }
0x13: {  	[sflag:s12] =	ssyncadd.s32 $0xFFFFD880  }
0x14: {  	s19 =	sadd.s32 $0x0, s10;
	[bflag:$0x0] =	sbarrier.arrive $0xFFFF  }
0x15: {  	[tilespmem:s13], [sflag:$0x2] =	stream.linear.gather [hbm4b:s19+s3], $0x80, $0x38;
	[tilespmem:$0x17D00] =	vst v63  }
0x16: {  	_ =	swait.ge [sflag:s12], $0x80  }
0x17: {  	[sflag:s12] =	ssyncset.done $0x0  }
0x18: {  	s31 =	sadd.s32 $0x0, s9;
	[sflag:s12] =	ssyncadd.s32 $0xFFFFFF80  }
0x19: {  	[tilespmem:s14], [sflag:$0x2] =	stream.linear.gather [hbm4b:s31+s3], $0x80, $0x38;
	[tilespmem:$0x17D00] =	vst v63  }
0x1a: {  	_ =	swait.ge [sflag:s12], $0x80  }
0x1b: {  	[sflag:s12] =	ssyncset.done $0x0  }
0x1c: {  	[sflag:s12] =	ssyncadd.s32 $0xFFFFFF80  }
0x1d: {  	[tilespmem:s16], [sflag:$0x1] =	stream.indirect.gather [hbm4b:s4+s15], $0x80, s13, s15, $0xb8;
	[tilespmem:$0x17D00] =	vst v63  }
0x1e: {  	_ =	swait.ge [sflag:s17], $0x4000  }
0x1f: {  	[sflag:s17] =	ssyncset.done $0x0  }
0x20: {  	[sflag:s17] =	ssyncadd.s32 $0xFFFFC000  }
0x21: {  	[spmem:s2] =	stream.indirect.scatter.add.f32 [tilespmem:s16], [sflag:$0x2], $0x80, s14, s15, $0xb8;
	[tilespmem:$0x17D00] =	vst v63  }
0x22: {  	_ =	swait.ge [sflag:s12], $0x4000  }
0x23: {  	s20 =	simm.s32 $0x20;
	s19 =	simm.s32 $0x10;
	[sflag:s12] =	ssyncset.done $0x0  }
.LBB2_2:
0x24: {  	s21 =	sadd.s32 s19, s10  }
0x25: {  	[sflag:s12] =	ssyncadd.s32 $0xFFFFC000;
	s22 =	smov.u32 s20;
	s23 =	sadd.s32 $0x10, s20  }
0x26: {  	[tilespmem:s13], [sflag:$0x2] =	stream.linear.gather [hbm4b:s21+s3], $0x80, $0x38;
	[tilespmem:$0x17D00] =	vst v63  }
0x27: {  	p0 =	sne.s32 s20, $0x4E0;
	_ =	swait.ge [sflag:s12], $0x80  }
0x28: {  	[sflag:s12] =	ssyncset.done $0x0  }
0x29: {  	s20 =	sadd.s32 s19, s9;
	s19 =	smov.u32 s22;
	[sflag:s12] =	ssyncadd.s32 $0xFFFFFF80  }
0x2a: {  	[tilespmem:s14], [sflag:$0x2] =	stream.linear.gather [hbm4b:s20+s3], $0x80, $0x38;
	[tilespmem:$0x17D00] =	vst v63  }
0x2b: {  	_ =	swait.ge [sflag:s12], $0x80  }
0x2c: {  	[sflag:s12] =	ssyncset.done $0x0  }
0x2d: {  	[sflag:s12] =	ssyncadd.s32 $0xFFFFFF80  }
0x2e: {  	[tilespmem:s16], [sflag:$0x1] =	stream.indirect.gather [hbm4b:s4+s15], $0x80, s13, s15, $0xb8;
	[tilespmem:$0x17D00] =	vst v63  }
0x2f: {  	_ =	swait.ge [sflag:s17], $0x4000  }
.Ltmp0:
0x30: {  	[sflag:s17] =	ssyncset.done $0x0;
	(pc) =	sbr.rel @p0 .LBB2_2-.Ltmp0, $4  }
0x31: {  	[sflag:s17] =	ssyncadd.s32 $0xFFFFC000  }
0x32: {  	[spmem:s2] =	stream.indirect.scatter.add.f32 [tilespmem:s16], [sflag:$0x2], $0x80, s14, s15, $0xb8;
	[tilespmem:$0x17D00] =	vst v63  }
0x33: {  	_ =	swait.ge [sflag:s12], $0x4000  }
0x34: {  	s20 =	smov.u32 s23;
	[sflag:s12] =	ssyncset.done $0x0  }
0x35: {  	s20 =	sadd.s32 s19, s10;
	[sflag:s12] =	ssyncadd.s32 $0xFFFFC000  }
0x36: {  	[tilespmem:s13], [sflag:$0x2] =	stream.linear.gather [hbm4b:s20+s3], $0x80, $0x38;
	[tilespmem:$0x17D00] =	vst v63  }
0x37: {  	_ =	swait.ge [sflag:s12], $0x80  }
0x38: {  	[sflag:s12] =	ssyncset.done $0x0  }
0x39: {  	s31 =	sadd.s32 s19, s9;
	[sflag:s12] =	ssyncadd.s32 $0xFFFFFF80  }
0x3a: {  	[tilespmem:s14], [sflag:$0x2] =	stream.linear.gather [hbm4b:s31+s3], $0x80, $0x38;
	[tilespmem:$0x17D00] =	vst v63  }
0x3b: {  	_ =	swait.ge [sflag:s12], $0x80  }
0x3c: {  	[sflag:s12] =	ssyncset.done $0x0  }
0x3d: {  	[sflag:s12] =	ssyncadd.s32 $0xFFFFFF80  }
0x3e: {  	[tilespmem:s16], [sflag:$0x1] =	stream.indirect.gather [hbm4b:s4+s15], $0x80, s13, s15, $0xb8;
	[tilespmem:$0x17D00] =	vst v63  }
0x3f: {  	_ =	swait.ge [sflag:s17], $0x4000  }
0x40: {  	[sflag:s17] =	ssyncset.done $0x0  }
0x41: {  	[sflag:s17] =	ssyncadd.s32 $0xFFFFC000  }
0x42: {  	[spmem:s2] =	stream.indirect.scatter.add.f32 [tilespmem:s16], [sflag:$0x2], $0x80, s14, s15, $0xb8;
	[tilespmem:$0x17D00] =	vst v63  }
0x43: {  	_ =	swait.ge [sflag:s12], $0x4000  }
0x44: {  	s18 =	sadd.s32 $0x1, s18;
	[sflag:s12] =	ssyncset.done $0x0  }
0x45: {  	p0 =	sne.s32 s18, s8;
	[sflag:s12] =	ssyncadd.s32 $0xFFFFC000  }
.Ltmp1:
0x46: {  	[bflag:$0x0] =	sbarrier.arrive $0xFFFF;
	(pc) =	sbr.rel @p0 .LBB2_1-.Ltmp1, $4  }
0x47: {  	[hbm:s7], [sflag:s6] =	dma.local [spmem:s11], $0x2780  }
0x48: {  	_ =	swait.ge [sflag:s12], $0x2780  }
0x49: {  	[sflag:s12] =	ssyncset.done $0x0  }
0x4a: {  	[sflag:s12] =	ssyncadd.s32 $0xFFFFD880  }
0x4b: {  	_ =	sfence.sel $0x180000  }
0x4c: {  	[bflag:$0x0] =	sbarrier.arrive $0xFFFF  }
0x4d: {  	p0 =	sne.s32 s1, $0x0;
	_ =	strace $0x9000004A  }
0x4e: {  	s0 =	sadd.s32 @!p0 $0x100000, s0;
	[bflag:$0x2] =	sbarrier.arrive $0xFFFF  }
0x4f: {  	[sflag:s0] =	ssyncadd.tile.s32 @!p0 $0x1;
	_ =	shalt  }
.Lfunc_end2:
_tile_overlayer_lowered:
.L_overlay_start_2:
0x50: {  	(tag) =	ssettag $0x2  }
0x51: {  	s0 =	rddreg [dreg:$0x0];
	s2 =	stileid.u32  }
0x52: {  	s1 =	rddreg [dreg:$0x1];
	p0 =	sne.s32 s2, $0x0  }
0x53: {  	s3 =	rddreg [dreg:$0x2];
	[bflag:$0x3] =	sbarrier.arrive $0xFFFF;
	s2 =	simm.s32 @!p0 $0x1C02  }
0x54: {  	[timem:s3], [sflag:s2] =	dma.local @!p0 [hbm:s0], s1  }
0x55: {  	s0 =	simm.s32 @!p0 $0x2  }
0x56: {  	_ =	swait.ge @!p0 [sflag:s0], s1  }
0x57: {  	s1 =	ssub.s32 @!p0 $0x0, s1;
	[sflag:s0] =	ssyncset.done @!p0 $0x0  }
0x58: {  	[sflag:s0] =	ssyncadd.s32 @!p0 s1  }
0x59: {  	[bflag:$0x3] =	sbarrier.arrive $0xFFFF  }
0x5a: {  	_ =	shalt  }

// kernel: kernel.15.cloned.1.call-start
scs
__scs_entry_jumppad:
0x0: {  	(pc) =	sbr.rel $0x88, $3  }
0x1: {  	(tag) =	ssettag $0x0;
	lr =	simm.s32 $0x1  }
0x2: {  	[smem:$0x3F8A] =	sst lr;
	_ =	strace $0xD0000000  }
0x3: {  	_ = 	snop  }
0x4: {  	_ = 	snop  }
0x5: {  	_ = 	snop  }
0x6: {  	_ = 	snop  }
0x7: {  	_ = 	snop  }
__scs_overlays_trampoline_lowered:
0x8: {  	[smem:$0x3F99] =	sst s0  }
0x9: {  	[smem:$0x3F9A] =	sst s1  }
0xa: {  	[smem:$0x3F9B] =	sst s2  }
0xb: {  	[smem:$0x3F9C] =	sst s3  }
0xc: {  	[smem:$0x3F9D] =	sst s4  }
0xd: {  	[smem:$0x3F9E] =	sst s5  }
0xe: {  	[smem:$0x3F9F] =	sst s6  }
0xf: {  	[smem:$0x3FA0] =	sst s7  }
0x10: {  	[smem:$0x3FA1] =	sst s8  }
0x11: {  	[smem:$0x3FA2] =	sst s9;
	s0 =	simm.s32 @!p0 $0x0  }
0x12: {  	s1 =	sld [smem:$0x3F88];
	s0 =	simm.s32 @p0 $0x1  }
0x13: {  	[smem:$0x3FA3] =	sst s0;
	s0 =	simm.s32 @!p1 $0x0  }
0x14: {  	s2 =	sld [smem:$0x3F87];
	s0 =	simm.s32 @p1 $0x1  }
0x15: {  	[smem:$0x3FA4] =	sst s0;
	s0 =	simm.s32 @!p2 $0x0  }
0x16: {  	s3 =	sld [smem:$0x3FDB];
	s0 =	simm.s32 @p2 $0x1  }
0x17: {  	s4 =	simm.s32 $0x1BF5;
	[smem:$0x3FA6] =	sst s0  }
0x18: {  	s0 =	sld [smem:$0x3F89];
	_ =	swait.ge [sflag:s4], $0x0  }
0x19: {  	s7 =	sld [smem:$0x3F8A]  }
0x1a: {  	s8 =	sadd.s32 $0xFFFFE003, lr  }
0x1b: {  	s9 =	sadd.s32 $0xFFFFFEF7, lr;
	s5 =	simm.s32 $0xFFFFFFFF;
	p2 =	slt.u32 s8, $0xFFFFF086  }
0x1c: {  	p1 =	slt.u32 s9, $0xF7A;
	s5 =	simm.s32 @!p2 $0x0  }
0x1d: {  	s5 =	simm.s32 @p1 $0x1;
	p0 =	seq.s32 s7, s2  }
0x1e: {  	s7 =	smul.u32 @!p0 $0xF7A, s2;
	p2 =	seq.s32 @!p0 s5, $0x0  }
0x1f: {  	s9 =	smul.u32 $0xF7A, s1;
	s8 =	simm.s32 @!p0 $0x1BF5;
	p2 =	por !p2, p0  }
0x20: {  	[sflag:s8] =	ssyncset.s32 @!p0 $0xFFFFF086;
	s6 =	sadd.s32 @!p0 s3, s7;
	s7 =	simm.s32 @!p0 $0x108  }
0x21: {  	s3 =	sadd.s32 s3, s9;
	s6 =	sadd.s32 @!p0 $0x88, s6;
	s7 =	simm.s32 @p2 $0x1082  }
0x22: {  	[simem:s7], [sflag:s8] =	dma.local @!p0 [hbm:s6], $0xF7A  }
0x23: {  	s9 =	sor.u32 $0xD0000000, s2;
	s6 =	simm.s32 $0x108;
	_ =	swait.ge @!p0 [sflag:s8], $0x0  }
0x24: {  	s3 =	sadd.s32 $0x88, s3;
	s6 =	simm.s32 @!p1 $0x1082;
	[sflag:s4] =	ssyncset.s32 $0xFFFFF086  }
0x25: {  	[simem:s6], [sflag:s4] =	dma.local [hbm:s3], $0xF7A  }
0x26: {  	[smem:$0x3F8A] =	sst s1;
	(tag) =	ssettag s2;
	_ =	strace s9  }
0x27: {  	s1 =	sld [smem:$0x3F9A]  }
0x28: {  	s2 =	sld [smem:$0x3F9B]  }
0x29: {  	s4 =	sld [smem:$0x3F9D]  }
0x2a: {  	p0 =	seq.s32 s5, $0x0;
	s5 =	sld [smem:$0x3F9E]  }
0x2b: {  	s6 =	sld [smem:$0x3F9F]  }
0x2c: {  	s7 =	sld [smem:$0x3FA0]  }
0x2d: {  	s3 =	simm.s32 $0x108;
	s8 =	sld [smem:$0x3FA1]  }
0x2e: {  	s3 =	simm.s32 @!p0 $0x1082;
	s9 =	sld [smem:$0x3FA2]  }
0x2f: {  	lr =	sadd.s32 s0, s3;
	s0 =	sld [smem:$0x3F99]  }
0x30: {  	s3 =	sld [smem:$0x3F9C]  }
0x31: {  	[smem:$0x3FA5] =	sst s10  }
0x32: {  	s10 =	sld [smem:$0x3FA3];
	_ =	sdelay $0x3  }
0x33: {  	p0 =	seq.s32 s10, $0x1;
	s10 =	sld [smem:$0x3FA5];
	_ =	sdelay $0x3  }
0x34: {  	[smem:$0x3FA5] =	sst s10  }
0x35: {  	s10 =	sld [smem:$0x3FA4];
	_ =	sdelay $0x3  }
0x36: {  	p1 =	seq.s32 s10, $0x1;
	s10 =	sld [smem:$0x3FA5];
	_ =	sdelay $0x3  }
0x37: {  	[smem:$0x3FA5] =	sst s10  }
0x38: {  	s10 =	sld [smem:$0x3FA6]  }
0x39: {  	_ = 	snop;
	(pc) =	sbr.ind lr, $3  }
0x3a: {  	_ = 	snop  }
0x3b: {  	_ = 	snop  }
0x3c: {  	p2 =	seq.s32 s10, $0x1;
	s10 =	sld [smem:$0x3FA5]  }
0x3d: {  	_ =	shalt  }
0x3e: {  	_ =	shalt  }
0x3f: {  	_ =	shalt  }
0x40: {  	_ =	shalt  }
0x41: {  	_ =	shalt  }
0x42: {  	_ =	shalt  }
0x43: {  	_ =	shalt  }
0x44: {  	_ =	shalt  }
0x45: {  	_ =	shalt  }
0x46: {  	_ =	shalt  }
0x47: {  	_ =	shalt  }
0x48: {  	_ =	shalt  }
0x49: {  	_ =	shalt  }
0x4a: {  	_ =	shalt  }
0x4b: {  	_ =	shalt  }
0x4c: {  	_ =	shalt  }
0x4d: {  	_ =	shalt  }
0x4e: {  	_ =	shalt  }
0x4f: {  	_ =	shalt  }
0x50: {  	_ =	shalt  }
0x51: {  	_ =	shalt  }
0x52: {  	_ =	shalt  }
0x53: {  	_ =	shalt  }
0x54: {  	_ =	shalt  }
0x55: {  	_ =	shalt  }
0x56: {  	_ =	shalt  }
0x57: {  	_ =	shalt  }
0x58: {  	_ =	shalt  }
0x59: {  	_ =	shalt  }
0x5a: {  	_ =	shalt  }
0x5b: {  	_ =	shalt  }
0x5c: {  	_ =	shalt  }
0x5d: {  	_ =	shalt  }
0x5e: {  	_ =	shalt  }
0x5f: {  	_ =	shalt  }
0x60: {  	_ =	shalt  }
0x61: {  	_ =	shalt  }
0x62: {  	_ =	shalt  }
0x63: {  	_ =	shalt  }
0x64: {  	_ =	shalt  }
0x65: {  	_ =	shalt  }
0x66: {  	_ =	shalt  }
0x67: {  	_ =	shalt  }
0x68: {  	_ =	shalt  }
0x69: {  	_ =	shalt  }
0x6a: {  	_ =	shalt  }
0x6b: {  	_ =	shalt  }
0x6c: {  	_ =	shalt  }
0x6d: {  	_ =	shalt  }
0x6e: {  	_ =	shalt  }
0x6f: {  	_ =	shalt  }
0x70: {  	_ =	shalt  }
0x71: {  	_ =	shalt  }
0x72: {  	_ =	shalt  }
0x73: {  	_ =	shalt  }
0x74: {  	_ =	shalt  }
0x75: {  	_ =	shalt  }
0x76: {  	_ =	shalt  }
0x77: {  	_ =	shalt  }
0x78: {  	_ =	shalt  }
0x79: {  	_ =	shalt  }
0x7a: {  	_ =	shalt  }
0x7b: {  	_ =	shalt  }
0x7c: {  	_ =	shalt  }
0x7d: {  	_ =	shalt  }
0x7e: {  	_ =	shalt  }
0x7f: {  	_ =	shalt  }
0x80: {  	_ =	shalt  }
0x81: {  	_ =	shalt  }
0x82: {  	_ =	shalt  }
0x83: {  	_ =	shalt  }
0x84: {  	_ =	shalt  }
0x85: {  	_ =	shalt  }
0x86: {  	_ =	shalt  }
0x87: {  	_ =	shalt  }
.Lfunc_end0:
.L_simem_size_0:
called_computation.2_lowered:
.L_overlay_start_0:
0x88: {  	s2 =	sld [smem:$0x3FD9]  }
0x89: {  	s3 =	sld [smem:$0x3FFE];
	_ =	sdelay $0x1  }
0x8a: {  	s1 =	srdreg.scid  }
0x8b: {  	s0 =	sand.u32 $0x1, s1  }
0x8c: {  	s16 =	sshll.u32 s0, $0xA;
	s2 =	sadd.s32 s3, s2  }
0x8d: {  	s2 =	sadd.s32 s2, s16  }
0x8e: {  	[smem:$0x3FB1] =	sst s2  }
0x8f: {  	_ = 	snop  }
0x90: {  	(tm) =	ssettm $0x1  }
0x91: {  	s17 =	sld [smem:$0x3FFB];
	_ =	sdelay $0x3  }
0x92: {  	_ =	strace s17  }
0x93: {  	s2 =	sld [smem:$0x3FFC];
	_ =	sdelay $0x3  }
0x94: {  	_ =	strace s2  }
0x95: {  	s2 =	sld [smem:$0x3FFD];
	_ =	sdelay $0x3  }
0x96: {  	_ =	strace s2  }
0x97: {  	_ =	strace $0x8FFFFFFF  }
0x98: {  	s18 =	sld [smem:$0x3FDB];
	_ =	sdelay $0x1  }
0x99: {  	s19 =	simm.s32 $_scs_section_size  }
0x9a: {  	s4 =	simm.s32 $_size__tile_overlayer_lowered;
	s5 =	simm.s32 $_tile_overlayer_lowered  }
0x9b: {  	s22 =	simm.s32 $0x1BFF;
	s21 =	sshll.u32 s5, $0x1;
	s2 =	sadd.s32 s19, s18  }
0x9c: {  	s6 =	simm.s32 $0x0;
	s20 =	sshll.u32 s4, $0x1;
	s4 =	sadd.s32 s21, s2  }
0x9d: {  	[timem:s6], [sflag:s22] =	dma.local [hbm:s4], s20  }
0x9e: {  	_ =	swait.ge [sflag:s22], s20  }
0x9f: {  	s3 =	ssub.s32 $0x0, s20;
	[sflag:s22] =	ssyncset.done $0x0  }
0xa0: {  	[sflag:s22] =	ssyncadd.s32 s3;
	_ =	sdelay $0x1  }
0xa1: {  	s23 =	simm.s32 $0x1B8B  }
0xa2: {  	_ =	swait.ge [sflag:s23], $0x1  }
0xa3: {  	[sflag:s23] =	ssyncset.done $0x0  }
0xa4: {  	s25 =	simm.s32 $0x1B8E;
	s24 =	sld [smem:$0x3FFE];
	[sflag:s23] =	ssyncadd.s32 $0xFFFFFFFF  }
0xa5: {  	s26 =	simm.s32 $execute0_lowered;
	[smem:$0x3FD2] =	sst s25  }
0xa6: {  	s4 =	sshll.u32 s26, $0x1;
	_ =	strace $0x8000004C;
	[dreg:$0x1] =	wrdreg $0xFFFFFFFF  }
0xa7: {  	s28 =	simm.s32 $_size_execute0_lowered;
	s2 =	sadd.s32 s2, s4;
	[dreg:$0x0] =	wrdreg $0x0  }
0xa8: {  	s4 =	sshll.u32 s28, $0x1;
	[dreg:$0x2] =	wrdreg s2  }
0xa9: {  	[dreg:$0x3] =	wrdreg s4  }
0xaa: {  	[dreg:$0x4] =	wrdreg $0xC0  }
0xab: {  	_ =	task [dreg:s6], $0x5FFFF  }
0xac: {  	[dreg:$0x1] =	wrdreg $0xFFFFFFFF  }
0xad: {  	[dreg:$0x0] =	wrdreg $0x60  }
0xae: {  	[dreg:$0x2] =	wrdreg s24  }
0xaf: {  	[dreg:$0x3] =	wrdreg $0x0  }
0xb0: {  	[dreg:$0x4] =	wrdreg $0x9  }
0xb1: {  	_ =	task.clear_ibuf [dreg:s6], $0x5FFFF;
	_ =	strace $0x9000004C  }
0xb2: {  	s29 =	simm.s32 $0x9;
	_ =	strace $0x8000004E  }
0xb3: {  	_ =	swait.ge [sflag:s29], $0x1  }
0xb4: {  	[sflag:s29] =	ssyncadd.s32 $0xFFFFFFFF  }
0xb5: {  	_ =	strace $0x9000004E  }
0xb6: {  	_ =	sfence  }
0xb7: {  	s30 =	sld [smem:$0x0];
	_ =	sdelay $0x2  }
0xb8: {  	s31 =	sshll.u32 s1, $0xD;
	s1 =	sshrl.u32 s1, $0x2  }
0xb9: {  	s3 =	sand.u32 $0x4000, s31;
	s1 =	sadd.s32 s1, s30  }
0xba: {  	s0 =	sor.u32 s3, s0;
	s1 =	sshll.u32 s1, $0x11  }
0xbb: {  	s0 =	sor.u32 s1, s0  }
0xbc: {  	s0 =	sadd.s32 $0x8F2B, s0  }
0xbd: {  	[sflag:s0] =	ssyncadd.remote.s32 $0x1  }
0xbe: {  	_ =	sfence.sel $0xFFFF  }
0xbf: {  	[dreg:$0x0] =	wrdreg $0xFFFFFFFF;
	(pc) =	sbr.abs _section_cstart, $3  }
0xc0: {  	[dreg:$0x1] =	wrdreg $0xFFFFFFFF  }
0xc1: {  	_ =	task.clear_ibuf [dreg:s6], $0x2FFFF;
	_ =	strace $0x9FFFFFFF  }
0xc2: {  	(tm) =	ssettm $0x7FFFFFFF  }
0xc3: {  	_ =	shalt  }
tec
execute0_lowered:
.L_overlay_start_1:
0x0: {  	(tag) =	ssettag $0x1  }
0x1: {  	s5 =	rddreg [dreg:$0x0]  }
0x2: {  	s0 =	srdreg.scid;
	s2 =	rddreg [dreg:$0x1]  }
0x3: {  	s1 =	stileid.u32;
	s3 =	simm.s32 $0x0;
	s14 =	simm.s32 $0x13C80  }
0x4: {  	s15 =	simm.s32 $0x80;
	s16 =	simm.s32 $0x13D00;
	s8 =	smul.u32 $0x13C00, s1  }
0x5: {  	s17 =	simm.s32 $0x1;
	s18 =	simm.s32 $0x0;
	s10 =	smul.u32 $0x4F000, s1  }
0x6: {  	s6 =	sand.u32 $0x1, s0;
	s0 =	rddreg [dreg:$0x2];
	s11 =	smul.u32 $0x4F0, s1  }
0x7: {  	[smem:$0x7FF] =	sst s3;
	s4 =	sadd.s32 $0x18200, s5;
	s7 =	smul.u32 $0x4F00, s6  }
0x8: {  	s30 =	sshll.u32 s1, $0x6;
	s9 =	smul.u32 $0x13C000, s6;
	s29 =	ssub.s32 $0x2, s6  }
0x9: {  	_ =	strace $0x8000004D;
	s6 =	sshrl.u32 s29, $0x1;
	s10 =	sshrl.u32 s10, $0x2  }
0xa: {  	s7 =	sadd.s32 s7, s5;
	s9 =	sadd.s32 s8, s9;
	s8 =	sshrl.u32 s8, $0x3  }
0xb: {  	s12 =	ssub.s32 s29, s6;
	s13 =	sadd.s32 s10, s2;
	s6 =	sor.u32 $0x1C02, s30  }
0xc: {  	s9 =	sshrl.u32 s9, $0x3;
	s8 =	sadd.s32 s8, s5;
	s31 =	sadd.s32 s11, s7  }
0xd: {  	s11 =	sshrl.u32 s13, $0x3;
	s13 =	simm.s32 $0x13C00;
	s9 =	sadd.s32 s9, s5  }
0xe: {  	s5 =	sadd.s32 $0x3FA00, s8;
	s8 =	smax.u32 s12, $0x1;
	s10 =	sadd.s32 $0x4600, s31  }
0xf: {  	s12 =	simm.s32 $0x2;
	s7 =	sadd.s32 $0x67200, s9;
	s9 =	sadd.s32 $0xE400, s31  }
.LBB2_1:
0x10: {  	[spmem:s11], [sflag:s6] =	dma.local [hbm:s5], $0x2780  }
0x11: {  	_ =	swait.ge [sflag:s12], $0x2780  }
0x12: {  	[sflag:s12] =	ssyncset.done $0x0  }
0x13: {  	[sflag:s12] =	ssyncadd.s32 $0xFFFFD880  }
0x14: {  	s19 =	sadd.s32 $0x0, s10;
	[bflag:$0x0] =	sbarrier.arrive $0xFFFF  }
0x15: {  	[tilespmem:s13], [sflag:$0x2] =	stream.linear.gather [hbm4b:s19+s3], $0x80, $0x38;
	[tilespmem:$0x17D00] =	vst v63  }
0x16: {  	_ =	swait.ge [sflag:s12], $0x80  }
0x17: {  	[sflag:s12] =	ssyncset.done $0x0  }
0x18: {  	s31 =	sadd.s32 $0x0, s9;
	[sflag:s12] =	ssyncadd.s32 $0xFFFFFF80  }
0x19: {  	[tilespmem:s14], [sflag:$0x2] =	stream.linear.gather [hbm4b:s31+s3], $0x80, $0x38;
	[tilespmem:$0x17D00] =	vst v63  }
0x1a: {  	_ =	swait.ge [sflag:s12], $0x80  }
0x1b: {  	[sflag:s12] =	ssyncset.done $0x0  }
0x1c: {  	[sflag:s12] =	ssyncadd.s32 $0xFFFFFF80  }
0x1d: {  	[tilespmem:s16], [sflag:$0x1] =	stream.indirect.gather [hbm4b:s4+s15], $0x80, s13, s15, $0xb8;
	[tilespmem:$0x17D00] =	vst v63  }
0x1e: {  	_ =	swait.ge [sflag:s17], $0x4000  }
0x1f: {  	[sflag:s17] =	ssyncset.done $0x0  }
0x20: {  	[sflag:s17] =	ssyncadd.s32 $0xFFFFC000  }
0x21: {  	[spmem:s2] =	stream.indirect.scatter.add.f32 [tilespmem:s16], [sflag:$0x2], $0x80, s14, s15, $0xb8;
	[tilespmem:$0x17D00] =	vst v63  }
0x22: {  	_ =	swait.ge [sflag:s12], $0x4000  }
0x23: {  	s20 =	simm.s32 $0x20;
	s19 =	simm.s32 $0x10;
	[sflag:s12] =	ssyncset.done $0x0  }
.LBB2_2:
0x24: {  	s21 =	sadd.s32 s19, s10  }
0x25: {  	[sflag:s12] =	ssyncadd.s32 $0xFFFFC000;
	s22 =	smov.u32 s20;
	s23 =	sadd.s32 $0x10, s20  }
0x26: {  	[tilespmem:s13], [sflag:$0x2] =	stream.linear.gather [hbm4b:s21+s3], $0x80, $0x38;
	[tilespmem:$0x17D00] =	vst v63  }
0x27: {  	p0 =	sne.s32 s20, $0x4E0;
	_ =	swait.ge [sflag:s12], $0x80  }
0x28: {  	[sflag:s12] =	ssyncset.done $0x0  }
0x29: {  	s20 =	sadd.s32 s19, s9;
	s19 =	smov.u32 s22;
	[sflag:s12] =	ssyncadd.s32 $0xFFFFFF80  }
0x2a: {  	[tilespmem:s14], [sflag:$0x2] =	stream.linear.gather [hbm4b:s20+s3], $0x80, $0x38;
	[tilespmem:$0x17D00] =	vst v63  }
0x2b: {  	_ =	swait.ge [sflag:s12], $0x80  }
0x2c: {  	[sflag:s12] =	ssyncset.done $0x0  }
0x2d: {  	[sflag:s12] =	ssyncadd.s32 $0xFFFFFF80  }
0x2e: {  	[tilespmem:s16], [sflag:$0x1] =	stream.indirect.gather [hbm4b:s4+s15], $0x80, s13, s15, $0xb8;
	[tilespmem:$0x17D00] =	vst v63  }
0x2f: {  	_ =	swait.ge [sflag:s17], $0x4000  }
.Ltmp0:
0x30: {  	[sflag:s17] =	ssyncset.done $0x0;
	(pc) =	sbr.rel @p0 .LBB2_2-.Ltmp0, $4  }
0x31: {  	[sflag:s17] =	ssyncadd.s32 $0xFFFFC000  }
0x32: {  	[spmem:s2] =	stream.indirect.scatter.add.f32 [tilespmem:s16], [sflag:$0x2], $0x80, s14, s15, $0xb8;
	[tilespmem:$0x17D00] =	vst v63  }
0x33: {  	_ =	swait.ge [sflag:s12], $0x4000  }
0x34: {  	s20 =	smov.u32 s23;
	[sflag:s12] =	ssyncset.done $0x0  }
0x35: {  	s20 =	sadd.s32 s19, s10;
	[sflag:s12] =	ssyncadd.s32 $0xFFFFC000  }
0x36: {  	[tilespmem:s13], [sflag:$0x2] =	stream.linear.gather [hbm4b:s20+s3], $0x80, $0x38;
	[tilespmem:$0x17D00] =	vst v63  }
0x37: {  	_ =	swait.ge [sflag:s12], $0x80  }
0x38: {  	[sflag:s12] =	ssyncset.done $0x0  }
0x39: {  	s31 =	sadd.s32 s19, s9;
	[sflag:s12] =	ssyncadd.s32 $0xFFFFFF80  }
0x3a: {  	[tilespmem:s14], [sflag:$0x2] =	stream.linear.gather [hbm4b:s31+s3], $0x80, $0x38;
	[tilespmem:$0x17D00] =	vst v63  }
0x3b: {  	_ =	swait.ge [sflag:s12], $0x80  }
0x3c: {  	[sflag:s12] =	ssyncset.done $0x0  }
0x3d: {  	[sflag:s12] =	ssyncadd.s32 $0xFFFFFF80  }
0x3e: {  	[tilespmem:s16], [sflag:$0x1] =	stream.indirect.gather [hbm4b:s4+s15], $0x80, s13, s15, $0xb8;
	[tilespmem:$0x17D00] =	vst v63  }
0x3f: {  	_ =	swait.ge [sflag:s17], $0x4000  }
0x40: {  	[sflag:s17] =	ssyncset.done $0x0  }
0x41: {  	[sflag:s17] =	ssyncadd.s32 $0xFFFFC000  }
0x42: {  	[spmem:s2] =	stream.indirect.scatter.add.f32 [tilespmem:s16], [sflag:$0x2], $0x80, s14, s15, $0xb8;
	[tilespmem:$0x17D00] =	vst v63  }
0x43: {  	_ =	swait.ge [sflag:s12], $0x4000  }
0x44: {  	s18 =	sadd.s32 $0x1, s18;
	[sflag:s12] =	ssyncset.done $0x0  }
0x45: {  	p0 =	sne.s32 s18, s8;
	[sflag:s12] =	ssyncadd.s32 $0xFFFFC000  }
.Ltmp1:
0x46: {  	[bflag:$0x0] =	sbarrier.arrive $0xFFFF;
	(pc) =	sbr.rel @p0 .LBB2_1-.Ltmp1, $4  }
0x47: {  	[hbm:s7], [sflag:s6] =	dma.local [spmem:s11], $0x2780  }
0x48: {  	_ =	swait.ge [sflag:s12], $0x2780  }
0x49: {  	[sflag:s12] =	ssyncset.done $0x0  }
0x4a: {  	[sflag:s12] =	ssyncadd.s32 $0xFFFFD880  }
0x4b: {  	_ =	sfence.sel $0x180000  }
0x4c: {  	[bflag:$0x0] =	sbarrier.arrive $0xFFFF  }
0x4d: {  	p0 =	sne.s32 s1, $0x0;
	_ =	strace $0x9000004D  }
0x4e: {  	s0 =	sadd.s32 @!p0 $0x100000, s0;
	[bflag:$0x2] =	sbarrier.arrive $0xFFFF  }
0x4f: {  	[sflag:s0] =	ssyncadd.tile.s32 @!p0 $0x1;
	_ =	shalt  }
.Lfunc_end2:
_tile_overlayer_lowered:
.L_overlay_start_2:
0x50: {  	(tag) =	ssettag $0x2  }
0x51: {  	s0 =	rddreg [dreg:$0x0];
	s2 =	stileid.u32  }
0x52: {  	s1 =	rddreg [dreg:$0x1];
	p0 =	sne.s32 s2, $0x0  }
0x53: {  	s3 =	rddreg [dreg:$0x2];
	[bflag:$0x3] =	sbarrier.arrive $0xFFFF;
	s2 =	simm.s32 @!p0 $0x1C02  }
0x54: {  	[timem:s3], [sflag:s2] =	dma.local @!p0 [hbm:s0], s1  }
0x55: {  	s0 =	simm.s32 @!p0 $0x2  }
0x56: {  	_ =	swait.ge @!p0 [sflag:s0], s1  }
0x57: {  	s1 =	ssub.s32 @!p0 $0x0, s1;
	[sflag:s0] =	ssyncset.done @!p0 $0x0  }
0x58: {  	[sflag:s0] =	ssyncadd.s32 @!p0 s1  }
0x59: {  	[bflag:$0x3] =	sbarrier.arrive $0xFFFF  }
0x5a: {  	_ =	shalt  }

// kernel: kernel.9.cloned.1.call-start
scs
__scs_entry_jumppad:
0x0: {  	(pc) =	sbr.rel $0x88, $3  }
0x1: {  	(tag) =	ssettag $0x0;
	lr =	simm.s32 $0x1  }
0x2: {  	[smem:$0x3F8A] =	sst lr;
	_ =	strace $0xD0000000  }
0x3: {  	_ = 	snop  }
0x4: {  	_ = 	snop  }
0x5: {  	_ = 	snop  }
0x6: {  	_ = 	snop  }
0x7: {  	_ = 	snop  }
__scs_overlays_trampoline_lowered:
0x8: {  	[smem:$0x3F99] =	sst s0  }
0x9: {  	[smem:$0x3F9A] =	sst s1  }
0xa: {  	[smem:$0x3F9B] =	sst s2  }
0xb: {  	[smem:$0x3F9C] =	sst s3  }
0xc: {  	[smem:$0x3F9D] =	sst s4  }
0xd: {  	[smem:$0x3F9E] =	sst s5  }
0xe: {  	[smem:$0x3F9F] =	sst s6  }
0xf: {  	[smem:$0x3FA0] =	sst s7  }
0x10: {  	[smem:$0x3FA1] =	sst s8  }
0x11: {  	[smem:$0x3FA2] =	sst s9;
	s0 =	simm.s32 @!p0 $0x0  }
0x12: {  	s1 =	sld [smem:$0x3F88];
	s0 =	simm.s32 @p0 $0x1  }
0x13: {  	[smem:$0x3FA3] =	sst s0;
	s0 =	simm.s32 @!p1 $0x0  }
0x14: {  	s2 =	sld [smem:$0x3F87];
	s0 =	simm.s32 @p1 $0x1  }
0x15: {  	[smem:$0x3FA4] =	sst s0;
	s0 =	simm.s32 @!p2 $0x0  }
0x16: {  	s3 =	sld [smem:$0x3FDB];
	s0 =	simm.s32 @p2 $0x1  }
0x17: {  	s4 =	simm.s32 $0x1BF5;
	[smem:$0x3FA6] =	sst s0  }
0x18: {  	s0 =	sld [smem:$0x3F89];
	_ =	swait.ge [sflag:s4], $0x0  }
0x19: {  	s7 =	sld [smem:$0x3F8A]  }
0x1a: {  	s8 =	sadd.s32 $0xFFFFE003, lr  }
0x1b: {  	s9 =	sadd.s32 $0xFFFFFEF7, lr;
	s5 =	simm.s32 $0xFFFFFFFF;
	p2 =	slt.u32 s8, $0xFFFFF086  }
0x1c: {  	p1 =	slt.u32 s9, $0xF7A;
	s5 =	simm.s32 @!p2 $0x0  }
0x1d: {  	s5 =	simm.s32 @p1 $0x1;
	p0 =	seq.s32 s7, s2  }
0x1e: {  	s7 =	smul.u32 @!p0 $0xF7A, s2;
	p2 =	seq.s32 @!p0 s5, $0x0  }
0x1f: {  	s9 =	smul.u32 $0xF7A, s1;
	s8 =	simm.s32 @!p0 $0x1BF5;
	p2 =	por !p2, p0  }
0x20: {  	[sflag:s8] =	ssyncset.s32 @!p0 $0xFFFFF086;
	s6 =	sadd.s32 @!p0 s3, s7;
	s7 =	simm.s32 @!p0 $0x108  }
0x21: {  	s3 =	sadd.s32 s3, s9;
	s6 =	sadd.s32 @!p0 $0x88, s6;
	s7 =	simm.s32 @p2 $0x1082  }
0x22: {  	[simem:s7], [sflag:s8] =	dma.local @!p0 [hbm:s6], $0xF7A  }
0x23: {  	s9 =	sor.u32 $0xD0000000, s2;
	s6 =	simm.s32 $0x108;
	_ =	swait.ge @!p0 [sflag:s8], $0x0  }
0x24: {  	s3 =	sadd.s32 $0x88, s3;
	s6 =	simm.s32 @!p1 $0x1082;
	[sflag:s4] =	ssyncset.s32 $0xFFFFF086  }
0x25: {  	[simem:s6], [sflag:s4] =	dma.local [hbm:s3], $0xF7A  }
0x26: {  	[smem:$0x3F8A] =	sst s1;
	(tag) =	ssettag s2;
	_ =	strace s9  }
0x27: {  	s1 =	sld [smem:$0x3F9A]  }
0x28: {  	s2 =	sld [smem:$0x3F9B]  }
0x29: {  	s4 =	sld [smem:$0x3F9D]  }
0x2a: {  	p0 =	seq.s32 s5, $0x0;
	s5 =	sld [smem:$0x3F9E]  }
0x2b: {  	s6 =	sld [smem:$0x3F9F]  }
0x2c: {  	s7 =	sld [smem:$0x3FA0]  }
0x2d: {  	s3 =	simm.s32 $0x108;
	s8 =	sld [smem:$0x3FA1]  }
0x2e: {  	s3 =	simm.s32 @!p0 $0x1082;
	s9 =	sld [smem:$0x3FA2]  }
0x2f: {  	lr =	sadd.s32 s0, s3;
	s0 =	sld [smem:$0x3F99]  }
0x30: {  	s3 =	sld [smem:$0x3F9C]  }
0x31: {  	[smem:$0x3FA5] =	sst s10  }
0x32: {  	s10 =	sld [smem:$0x3FA3];
	_ =	sdelay $0x3  }
0x33: {  	p0 =	seq.s32 s10, $0x1;
	s10 =	sld [smem:$0x3FA5];
	_ =	sdelay $0x3  }
0x34: {  	[smem:$0x3FA5] =	sst s10  }
0x35: {  	s10 =	sld [smem:$0x3FA4];
	_ =	sdelay $0x3  }
0x36: {  	p1 =	seq.s32 s10, $0x1;
	s10 =	sld [smem:$0x3FA5];
	_ =	sdelay $0x3  }
0x37: {  	[smem:$0x3FA5] =	sst s10  }
0x38: {  	s10 =	sld [smem:$0x3FA6]  }
0x39: {  	_ = 	snop;
	(pc) =	sbr.ind lr, $3  }
0x3a: {  	_ = 	snop  }
0x3b: {  	_ = 	snop  }
0x3c: {  	p2 =	seq.s32 s10, $0x1;
	s10 =	sld [smem:$0x3FA5]  }
0x3d: {  	_ =	shalt  }
0x3e: {  	_ =	shalt  }
0x3f: {  	_ =	shalt  }
0x40: {  	_ =	shalt  }
0x41: {  	_ =	shalt  }
0x42: {  	_ =	shalt  }
0x43: {  	_ =	shalt  }
0x44: {  	_ =	shalt  }
0x45: {  	_ =	shalt  }
0x46: {  	_ =	shalt  }
0x47: {  	_ =	shalt  }
0x48: {  	_ =	shalt  }
0x49: {  	_ =	shalt  }
0x4a: {  	_ =	shalt  }
0x4b: {  	_ =	shalt  }
0x4c: {  	_ =	shalt  }
0x4d: {  	_ =	shalt  }
0x4e: {  	_ =	shalt  }
0x4f: {  	_ =	shalt  }
0x50: {  	_ =	shalt  }
0x51: {  	_ =	shalt  }
0x52: {  	_ =	shalt  }
0x53: {  	_ =	shalt  }
0x54: {  	_ =	shalt  }
0x55: {  	_ =	shalt  }
0x56: {  	_ =	shalt  }
0x57: {  	_ =	shalt  }
0x58: {  	_ =	shalt  }
0x59: {  	_ =	shalt  }
0x5a: {  	_ =	shalt  }
0x5b: {  	_ =	shalt  }
0x5c: {  	_ =	shalt  }
0x5d: {  	_ =	shalt  }
0x5e: {  	_ =	shalt  }
0x5f: {  	_ =	shalt  }
0x60: {  	_ =	shalt  }
0x61: {  	_ =	shalt  }
0x62: {  	_ =	shalt  }
0x63: {  	_ =	shalt  }
0x64: {  	_ =	shalt  }
0x65: {  	_ =	shalt  }
0x66: {  	_ =	shalt  }
0x67: {  	_ =	shalt  }
0x68: {  	_ =	shalt  }
0x69: {  	_ =	shalt  }
0x6a: {  	_ =	shalt  }
0x6b: {  	_ =	shalt  }
0x6c: {  	_ =	shalt  }
0x6d: {  	_ =	shalt  }
0x6e: {  	_ =	shalt  }
0x6f: {  	_ =	shalt  }
0x70: {  	_ =	shalt  }
0x71: {  	_ =	shalt  }
0x72: {  	_ =	shalt  }
0x73: {  	_ =	shalt  }
0x74: {  	_ =	shalt  }
0x75: {  	_ =	shalt  }
0x76: {  	_ =	shalt  }
0x77: {  	_ =	shalt  }
0x78: {  	_ =	shalt  }
0x79: {  	_ =	shalt  }
0x7a: {  	_ =	shalt  }
0x7b: {  	_ =	shalt  }
0x7c: {  	_ =	shalt  }
0x7d: {  	_ =	shalt  }
0x7e: {  	_ =	shalt  }
0x7f: {  	_ =	shalt  }
0x80: {  	_ =	shalt  }
0x81: {  	_ =	shalt  }
0x82: {  	_ =	shalt  }
0x83: {  	_ =	shalt  }
0x84: {  	_ =	shalt  }
0x85: {  	_ =	shalt  }
0x86: {  	_ =	shalt  }
0x87: {  	_ =	shalt  }
.Lfunc_end0:
.L_simem_size_0:
called_computation_lowered:
.L_overlay_start_0:
0x88: {  	s2 =	sld [smem:$0x3FD9]  }
0x89: {  	s3 =	sld [smem:$0x3FFE];
	_ =	sdelay $0x1  }
0x8a: {  	s1 =	srdreg.scid  }
0x8b: {  	s0 =	sand.u32 $0x1, s1  }
0x8c: {  	s16 =	sshll.u32 s0, $0xA;
	s2 =	sadd.s32 s3, s2  }
0x8d: {  	s2 =	sadd.s32 s2, s16  }
0x8e: {  	[smem:$0x3FB1] =	sst s2  }
0x8f: {  	_ = 	snop  }
0x90: {  	(tm) =	ssettm $0x1  }
0x91: {  	s17 =	sld [smem:$0x3FFB];
	_ =	sdelay $0x3  }
0x92: {  	_ =	strace s17  }
0x93: {  	s2 =	sld [smem:$0x3FFC];
	_ =	sdelay $0x3  }
0x94: {  	_ =	strace s2  }
0x95: {  	s2 =	sld [smem:$0x3FFD];
	_ =	sdelay $0x3  }
0x96: {  	_ =	strace s2  }
0x97: {  	_ =	strace $0x8FFFFFFF  }
0x98: {  	s18 =	sld [smem:$0x3FDB];
	_ =	sdelay $0x1  }
0x99: {  	s19 =	simm.s32 $_scs_section_size  }
0x9a: {  	s4 =	simm.s32 $_size__tile_overlayer_lowered;
	s5 =	simm.s32 $_tile_overlayer_lowered  }
0x9b: {  	s22 =	simm.s32 $0x1BFF;
	s21 =	sshll.u32 s5, $0x1;
	s2 =	sadd.s32 s19, s18  }
0x9c: {  	s6 =	simm.s32 $0x0;
	s20 =	sshll.u32 s4, $0x1;
	s4 =	sadd.s32 s21, s2  }
0x9d: {  	[timem:s6], [sflag:s22] =	dma.local [hbm:s4], s20  }
0x9e: {  	_ =	swait.ge [sflag:s22], s20  }
0x9f: {  	s3 =	ssub.s32 $0x0, s20;
	[sflag:s22] =	ssyncset.done $0x0  }
0xa0: {  	[sflag:s22] =	ssyncadd.s32 s3;
	_ =	sdelay $0x1  }
0xa1: {  	s23 =	simm.s32 $0x1B8B  }
0xa2: {  	_ =	swait.ge [sflag:s23], $0x1  }
0xa3: {  	[sflag:s23] =	ssyncset.done $0x0  }
0xa4: {  	s25 =	simm.s32 $0x1B8E;
	s24 =	sld [smem:$0x3FFE];
	[sflag:s23] =	ssyncadd.s32 $0xFFFFFFFF  }
0xa5: {  	s26 =	simm.s32 $execute0_lowered;
	[smem:$0x3FD2] =	sst s25  }
0xa6: {  	s4 =	sshll.u32 s26, $0x1;
	_ =	strace $0x80000046;
	[dreg:$0x1] =	wrdreg $0xFFFFFFFF  }
0xa7: {  	s28 =	simm.s32 $_size_execute0_lowered;
	s2 =	sadd.s32 s2, s4;
	[dreg:$0x0] =	wrdreg $0x0  }
0xa8: {  	s4 =	sshll.u32 s28, $0x1;
	[dreg:$0x2] =	wrdreg s2  }
0xa9: {  	[dreg:$0x3] =	wrdreg s4  }
0xaa: {  	[dreg:$0x4] =	wrdreg $0xC0  }
0xab: {  	_ =	task [dreg:s6], $0x5FFFF  }
0xac: {  	[dreg:$0x1] =	wrdreg $0xFFFFFFFF  }
0xad: {  	[dreg:$0x0] =	wrdreg $0x60  }
0xae: {  	[dreg:$0x2] =	wrdreg s24  }
0xaf: {  	[dreg:$0x3] =	wrdreg $0x0  }
0xb0: {  	[dreg:$0x4] =	wrdreg $0x9  }
0xb1: {  	_ =	task.clear_ibuf [dreg:s6], $0x5FFFF;
	_ =	strace $0x90000046  }
0xb2: {  	s29 =	simm.s32 $0x9;
	_ =	strace $0x80000048  }
0xb3: {  	_ =	swait.ge [sflag:s29], $0x1  }
0xb4: {  	[sflag:s29] =	ssyncadd.s32 $0xFFFFFFFF  }
0xb5: {  	_ =	strace $0x90000048  }
0xb6: {  	_ =	sfence  }
0xb7: {  	s30 =	sld [smem:$0x0];
	_ =	sdelay $0x2  }
0xb8: {  	s31 =	sshll.u32 s1, $0xD;
	s1 =	sshrl.u32 s1, $0x2  }
0xb9: {  	s3 =	sand.u32 $0x4000, s31;
	s1 =	sadd.s32 s1, s30  }
0xba: {  	s0 =	sor.u32 s3, s0;
	s1 =	sshll.u32 s1, $0x11  }
0xbb: {  	s0 =	sor.u32 s1, s0  }
0xbc: {  	s0 =	sadd.s32 $0x8F2B, s0  }
0xbd: {  	[sflag:s0] =	ssyncadd.remote.s32 $0x1  }
0xbe: {  	_ =	sfence.sel $0xFFFF  }
0xbf: {  	[dreg:$0x0] =	wrdreg $0xFFFFFFFF;
	(pc) =	sbr.abs _section_cstart, $3  }
0xc0: {  	[dreg:$0x1] =	wrdreg $0xFFFFFFFF  }
0xc1: {  	_ =	task.clear_ibuf [dreg:s6], $0x2FFFF;
	_ =	strace $0x9FFFFFFF  }
0xc2: {  	(tm) =	ssettm $0x7FFFFFFF  }
0xc3: {  	_ =	shalt  }
tec
execute0_lowered:
.L_overlay_start_1:
0x0: {  	(tag) =	ssettag $0x1  }
0x1: {  	s5 =	rddreg [dreg:$0x0]  }
0x2: {  	s0 =	srdreg.scid;
	s2 =	rddreg [dreg:$0x1]  }
0x3: {  	s1 =	stileid.u32;
	s3 =	simm.s32 $0x0;
	s14 =	simm.s32 $0x13C80  }
0x4: {  	s15 =	simm.s32 $0x80;
	s16 =	simm.s32 $0x13D00;
	s8 =	smul.u32 $0x13C00, s1  }
0x5: {  	s17 =	simm.s32 $0x1;
	s18 =	simm.s32 $0x0;
	s10 =	smul.u32 $0x4F000, s1  }
0x6: {  	s6 =	sand.u32 $0x1, s0;
	s0 =	rddreg [dreg:$0x2];
	s11 =	smul.u32 $0x4F0, s1  }
0x7: {  	[smem:$0x7FF] =	sst s3;
	s4 =	sadd.s32 $0x18200, s5;
	s7 =	smul.u32 $0x4F00, s6  }
0x8: {  	s30 =	sshll.u32 s1, $0x6;
	s9 =	smul.u32 $0x13C000, s6;
	s29 =	ssub.s32 $0x2, s6  }
0x9: {  	_ =	strace $0x80000047;
	s6 =	sshrl.u32 s29, $0x1;
	s10 =	sshrl.u32 s10, $0x2  }
0xa: {  	s7 =	sadd.s32 s7, s5;
	s9 =	sadd.s32 s8, s9;
	s8 =	sshrl.u32 s8, $0x3  }
0xb: {  	s12 =	ssub.s32 s29, s6;
	s13 =	sadd.s32 s10, s2;
	s6 =	sor.u32 $0x1C02, s30  }
0xc: {  	s9 =	sshrl.u32 s9, $0x3;
	s8 =	sadd.s32 s8, s5;
	s31 =	sadd.s32 s11, s7  }
0xd: {  	s11 =	sshrl.u32 s13, $0x3;
	s13 =	simm.s32 $0x13C00;
	s9 =	sadd.s32 s9, s5  }
0xe: {  	s5 =	sadd.s32 $0x3FA00, s8;
	s8 =	smax.u32 s12, $0x1;
	s10 =	sadd.s32 $0x4600, s31  }
0xf: {  	s12 =	simm.s32 $0x2;
	s7 =	sadd.s32 $0x67200, s9;
	s9 =	sadd.s32 $0xE400, s31  }
.LBB2_1:
0x10: {  	[spmem:s11], [sflag:s6] =	dma.local [hbm:s5], $0x2780  }
0x11: {  	_ =	swait.ge [sflag:s12], $0x2780  }
0x12: {  	[sflag:s12] =	ssyncset.done $0x0  }
0x13: {  	[sflag:s12] =	ssyncadd.s32 $0xFFFFD880  }
0x14: {  	s19 =	sadd.s32 $0x0, s10;
	[bflag:$0x0] =	sbarrier.arrive $0xFFFF  }
0x15: {  	[tilespmem:s13], [sflag:$0x2] =	stream.linear.gather [hbm4b:s19+s3], $0x80, $0x38;
	[tilespmem:$0x17D00] =	vst v63  }
0x16: {  	_ =	swait.ge [sflag:s12], $0x80  }
0x17: {  	[sflag:s12] =	ssyncset.done $0x0  }
0x18: {  	s31 =	sadd.s32 $0x0, s9;
	[sflag:s12] =	ssyncadd.s32 $0xFFFFFF80  }
0x19: {  	[tilespmem:s14], [sflag:$0x2] =	stream.linear.gather [hbm4b:s31+s3], $0x80, $0x38;
	[tilespmem:$0x17D00] =	vst v63  }
0x1a: {  	_ =	swait.ge [sflag:s12], $0x80  }
0x1b: {  	[sflag:s12] =	ssyncset.done $0x0  }
0x1c: {  	[sflag:s12] =	ssyncadd.s32 $0xFFFFFF80  }
0x1d: {  	[tilespmem:s16], [sflag:$0x1] =	stream.indirect.gather [hbm4b:s4+s15], $0x80, s13, s15, $0xb8;
	[tilespmem:$0x17D00] =	vst v63  }
0x1e: {  	_ =	swait.ge [sflag:s17], $0x4000  }
0x1f: {  	[sflag:s17] =	ssyncset.done $0x0  }
0x20: {  	[sflag:s17] =	ssyncadd.s32 $0xFFFFC000  }
0x21: {  	[spmem:s2] =	stream.indirect.scatter.add.f32 [tilespmem:s16], [sflag:$0x2], $0x80, s14, s15, $0xb8;
	[tilespmem:$0x17D00] =	vst v63  }
0x22: {  	_ =	swait.ge [sflag:s12], $0x4000  }
0x23: {  	s20 =	simm.s32 $0x20;
	s19 =	simm.s32 $0x10;
	[sflag:s12] =	ssyncset.done $0x0  }
.LBB2_2:
0x24: {  	s21 =	sadd.s32 s19, s10  }
0x25: {  	[sflag:s12] =	ssyncadd.s32 $0xFFFFC000;
	s22 =	smov.u32 s20;
	s23 =	sadd.s32 $0x10, s20  }
0x26: {  	[tilespmem:s13], [sflag:$0x2] =	stream.linear.gather [hbm4b:s21+s3], $0x80, $0x38;
	[tilespmem:$0x17D00] =	vst v63  }
0x27: {  	p0 =	sne.s32 s20, $0x4E0;
	_ =	swait.ge [sflag:s12], $0x80  }
0x28: {  	[sflag:s12] =	ssyncset.done $0x0  }
0x29: {  	s20 =	sadd.s32 s19, s9;
	s19 =	smov.u32 s22;
	[sflag:s12] =	ssyncadd.s32 $0xFFFFFF80  }
0x2a: {  	[tilespmem:s14], [sflag:$0x2] =	stream.linear.gather [hbm4b:s20+s3], $0x80, $0x38;
	[tilespmem:$0x17D00] =	vst v63  }
0x2b: {  	_ =	swait.ge [sflag:s12], $0x80  }
0x2c: {  	[sflag:s12] =	ssyncset.done $0x0  }
0x2d: {  	[sflag:s12] =	ssyncadd.s32 $0xFFFFFF80  }
0x2e: {  	[tilespmem:s16], [sflag:$0x1] =	stream.indirect.gather [hbm4b:s4+s15], $0x80, s13, s15, $0xb8;
	[tilespmem:$0x17D00] =	vst v63  }
0x2f: {  	_ =	swait.ge [sflag:s17], $0x4000  }
.Ltmp0:
0x30: {  	[sflag:s17] =	ssyncset.done $0x0;
	(pc) =	sbr.rel @p0 .LBB2_2-.Ltmp0, $4  }
0x31: {  	[sflag:s17] =	ssyncadd.s32 $0xFFFFC000  }
0x32: {  	[spmem:s2] =	stream.indirect.scatter.add.f32 [tilespmem:s16], [sflag:$0x2], $0x80, s14, s15, $0xb8;
	[tilespmem:$0x17D00] =	vst v63  }
0x33: {  	_ =	swait.ge [sflag:s12], $0x4000  }
0x34: {  	s20 =	smov.u32 s23;
	[sflag:s12] =	ssyncset.done $0x0  }
0x35: {  	s20 =	sadd.s32 s19, s10;
	[sflag:s12] =	ssyncadd.s32 $0xFFFFC000  }
0x36: {  	[tilespmem:s13], [sflag:$0x2] =	stream.linear.gather [hbm4b:s20+s3], $0x80, $0x38;
	[tilespmem:$0x17D00] =	vst v63  }
0x37: {  	_ =	swait.ge [sflag:s12], $0x80  }
0x38: {  	[sflag:s12] =	ssyncset.done $0x0  }
0x39: {  	s31 =	sadd.s32 s19, s9;
	[sflag:s12] =	ssyncadd.s32 $0xFFFFFF80  }
0x3a: {  	[tilespmem:s14], [sflag:$0x2] =	stream.linear.gather [hbm4b:s31+s3], $0x80, $0x38;
	[tilespmem:$0x17D00] =	vst v63  }
0x3b: {  	_ =	swait.ge [sflag:s12], $0x80  }
0x3c: {  	[sflag:s12] =	ssyncset.done $0x0  }
0x3d: {  	[sflag:s12] =	ssyncadd.s32 $0xFFFFFF80  }
0x3e: {  	[tilespmem:s16], [sflag:$0x1] =	stream.indirect.gather [hbm4b:s4+s15], $0x80, s13, s15, $0xb8;
	[tilespmem:$0x17D00] =	vst v63  }
0x3f: {  	_ =	swait.ge [sflag:s17], $0x4000  }
0x40: {  	[sflag:s17] =	ssyncset.done $0x0  }
0x41: {  	[sflag:s17] =	ssyncadd.s32 $0xFFFFC000  }
0x42: {  	[spmem:s2] =	stream.indirect.scatter.add.f32 [tilespmem:s16], [sflag:$0x2], $0x80, s14, s15, $0xb8;
	[tilespmem:$0x17D00] =	vst v63  }
0x43: {  	_ =	swait.ge [sflag:s12], $0x4000  }
0x44: {  	s18 =	sadd.s32 $0x1, s18;
	[sflag:s12] =	ssyncset.done $0x0  }
0x45: {  	p0 =	sne.s32 s18, s8;
	[sflag:s12] =	ssyncadd.s32 $0xFFFFC000  }
.Ltmp1:
0x46: {  	[bflag:$0x0] =	sbarrier.arrive $0xFFFF;
	(pc) =	sbr.rel @p0 .LBB2_1-.Ltmp1, $4  }
0x47: {  	[hbm:s7], [sflag:s6] =	dma.local [spmem:s11], $0x2780  }
0x48: {  	_ =	swait.ge [sflag:s12], $0x2780  }
0x49: {  	[sflag:s12] =	ssyncset.done $0x0  }
0x4a: {  	[sflag:s12] =	ssyncadd.s32 $0xFFFFD880  }
0x4b: {  	_ =	sfence.sel $0x180000  }
0x4c: {  	[bflag:$0x0] =	sbarrier.arrive $0xFFFF  }
0x4d: {  	p0 =	sne.s32 s1, $0x0;
	_ =	strace $0x90000047  }
0x4e: {  	s0 =	sadd.s32 @!p0 $0x100000, s0;
	[bflag:$0x2] =	sbarrier.arrive $0xFFFF  }
0x4f: {  	[sflag:s0] =	ssyncadd.tile.s32 @!p0 $0x1;
	_ =	shalt  }
.Lfunc_end2:
_tile_overlayer_lowered:
.L_overlay_start_2:
0x50: {  	(tag) =	ssettag $0x2  }
0x51: {  	s0 =	rddreg [dreg:$0x0];
	s2 =	stileid.u32  }
0x52: {  	s1 =	rddreg [dreg:$0x1];
	p0 =	sne.s32 s2, $0x0  }
0x53: {  	s3 =	rddreg [dreg:$0x2];
	[bflag:$0x3] =	sbarrier.arrive $0xFFFF;
	s2 =	simm.s32 @!p0 $0x1C02  }
0x54: {  	[timem:s3], [sflag:s2] =	dma.local @!p0 [hbm:s0], s1  }
0x55: {  	s0 =	simm.s32 @!p0 $0x2  }
0x56: {  	_ =	swait.ge @!p0 [sflag:s0], s1  }
0x57: {  	s1 =	ssub.s32 @!p0 $0x0, s1;
	[sflag:s0] =	ssyncset.done @!p0 $0x0  }
0x58: {  	[sflag:s0] =	ssyncadd.s32 @!p0 s1  }
0x59: {  	[bflag:$0x3] =	sbarrier.arrive $0xFFFF  }
0x5a: {  	_ =	shalt  }

</sc_bundles>
